<compile_context>
chip_gen: v7x
topology: tpu7x:2x2x1
jax: 0.10.2.dev20260603
libtpu: 0.0.44.dev20260713+nightly
codegen_flags: <defaults>
</compile_context>

<pallas_src>
import functools

import jax
import jax.numpy as jnp
from jax import lax
from jax.experimental import pallas as pl
from jax.experimental.pallas import tpu as pltpu
from jax.experimental.pallas import tpu_sc as plsc

B, A, T = 16, 4096, 128
L = 16
NW = 32
ROWS_PER_W = (B * A) // NW
W_PER_B = A // ROWS_PER_W
CR = 64
NCHUNK = ROWS_PER_W // CR
NV = T // L


def _rsqrt(x):
    i = plsc.bitcast(x, jnp.int32)
    i = jnp.int32(0x5F3759DF) - (i >> 1)
    y = plsc.bitcast(i, jnp.float32)
    xh = x * jnp.float32(0.5)
    y = y * (jnp.float32(1.5) - xh * y * y)
    y = y * (jnp.float32(1.5) - xh * y * y)
    y = y * (jnp.float32(1.5) - xh * y * y)
    return y


def _sqrt(x):
    return x * _rsqrt(x)


def _body(pos_hbm, nj_hbm, nk_hbm, rij_hbm, rik_hbm, rjk_hbm,
          pos_v, nj_v, nk_v, rij_v, rik_v, rjk_v):
    c = lax.axis_index("c")
    s = lax.axis_index("s")
    wid = s * 2 + c
    b = wid // W_PER_B
    a_base = (wid % W_PER_B) * ROWS_PER_W

    pltpu.sync_copy(pos_hbm.at[b], pos_v)

    offy = jnp.full((L,), A, jnp.int32)
    offz = jnp.full((L,), 2 * A, jnp.int32)
    eps = jnp.float32(1e-9)

    def chunk_body(ci, _):
        a0 = a_base + ci * CR
        pltpu.sync_copy(nj_hbm.at[b, pl.ds(a0, CR)], nj_v)
        pltpu.sync_copy(nk_hbm.at[b, pl.ds(a0, CR)], nk_v)

        def row_body(r, _):
            ia = jnp.full((L,), a0 + r, jnp.int32)
            xi = plsc.load_gather(pos_v, [ia])
            yi = plsc.load_gather(pos_v, [ia + offy])
            zi = plsc.load_gather(pos_v, [ia + offz])
            for v in range(NV):
                idx_j = nj_v[r, pl.ds(v * L, L)]
                idx_k = nk_v[r, pl.ds(v * L, L)]
                xj = plsc.load_gather(pos_v, [idx_j])
                yj = plsc.load_gather(pos_v, [idx_j + offy])
                zj = plsc.load_gather(pos_v, [idx_j + offz])
                xk = plsc.load_gather(pos_v, [idx_k])
                yk = plsc.load_gather(pos_v, [idx_k + offy])
                zk = plsc.load_gather(pos_v, [idx_k + offz])
                dxij = xj - xi
                dyij = yj - yi
                dzij = zj - zi
                dxik = xk - xi
                dyik = yk - yi
                dzik = zk - zi
                dxjk = xj - xk
                dyjk = yj - yk
                dzjk = zj - zk
                rij = _sqrt(dxij * dxij + dyij * dyij + dzij * dzij) + eps
                rik = _sqrt(dxik * dxik + dyik * dyik + dzik * dzik) + eps
                rjk = _sqrt(dxjk * dxjk + dyjk * dyjk + dzjk * dzjk) + eps
                rij_v[r, pl.ds(v * L, L)] = rij
                rik_v[r, pl.ds(v * L, L)] = rik
                rjk_v[r, pl.ds(v * L, L)] = rjk
            return ()

        lax.fori_loop(0, CR, row_body, (), unroll=1)
        pltpu.sync_copy(rij_v, rij_hbm.at[b, pl.ds(a0, CR)])
        pltpu.sync_copy(rik_v, rik_hbm.at[b, pl.ds(a0, CR)])
        pltpu.sync_copy(rjk_v, rjk_hbm.at[b, pl.ds(a0, CR)])
        return ()

    lax.fori_loop(0, NCHUNK, chunk_body, (), unroll=1)


_triples = functools.partial(
    pl.kernel,
    out_type=(
        jax.ShapeDtypeStruct((B, A, T), jnp.float32),
        jax.ShapeDtypeStruct((B, A, T), jnp.float32),
        jax.ShapeDtypeStruct((B, A, T), jnp.float32),
    ),
    mesh=plsc.VectorSubcoreMesh(core_axis_name="c", subcore_axis_name="s"),
    compiler_params=pltpu.CompilerParams(needs_layout_passes=False),
    scratch_types=[
        pltpu.VMEM((3 * A,), jnp.float32),
        pltpu.VMEM((CR, T), jnp.int32),
        pltpu.VMEM((CR, T), jnp.int32),
        pltpu.VMEM((CR, T), jnp.float32),
        pltpu.VMEM((CR, T), jnp.float32),
        pltpu.VMEM((CR, T), jnp.float32),
    ],
)(_body)


def kernel(positions, neighbors_j, neighbors_k):
    nj = neighbors_j.astype(jnp.int32)
    nk = neighbors_k.astype(jnp.int32)
    pos_flat = positions.transpose(0, 2, 1).reshape(B, 3 * A)
    return _triples(pos_flat, nj, nk)

# --- scband reference (transcript-rebuilt; emitter-appended) ---
"""Pipeline reference for scband-triples-distances-841813590532 (READ-ONLY COPY).

The authoritative reference and input builder live on the scoring server;
editing this copy changes nothing except your own understanding.
"""

import jax, jax.numpy as jnp
import numpy as np

B, A, T = 16, 4096, 128

def setup_inputs(seed: int = 0) -> dict:
    key = jax.random.key(seed)
    k1, k2, k3 = jax.random.split(key, 3)
    positions = jax.random.normal(k1, (B, A, 3), dtype=jnp.float32)
    neighbors_j = jax.random.randint(k2, (B, A, T), 0, A).astype(jnp.int64)
    neighbors_k = jax.random.randint(k3, (B, A, T), 0, A).astype(jnp.int64)
    return {"positions": positions, "neighbors_j": neighbors_j, "neighbors_k": neighbors_k}

def reference(positions, neighbors_j, neighbors_k):
    nbatch = neighbors_k.shape[0]
    idx_m = jnp.arange(nbatch)[:, None, None]
    # gather neighbor positions: [B, A, T, 3]
    pos_j = positions[idx_m, neighbors_j, :]
    pos_k = positions[idx_m, neighbors_k, :]
    R_ij = pos_j - positions[:, :, None, :]
    R_ik = pos_k - positions[:, :, None, :]
    R_jk = pos_j - pos_k
    r_ij = jnp.linalg.norm(R_ij, ord=2, axis=3) + 1e-09
    r_ik = jnp.linalg.norm(R_ik, ord=2, axis=3) + 1e-09
    r_jk = jnp.linalg.norm(R_jk, ord=2, axis=3) + 1e-09
    return (r_ij, r_ik, r_jk)

if __name__ == "__main__":
    import jax
    _d = setup_inputs()
    print(jax.jit(kernel)(*tuple(_d.values())))

</pallas_src>

<mosaic_0001>
#map = affine_map<(d0, d1) -> (0, 0)>
#map1 = affine_map<(d0, d1) -> (0, 0, 0)>
module attributes {stable_mosaic.version = 14 : i64} {
  func.func @_body(%arg0: i32, %arg1: i32, %arg2: memref<16x12288xf32, #tpu.memory_space<hbm>>, %arg3: memref<16x4096x128xi32, #tpu.memory_space<hbm>>, %arg4: memref<16x4096x128xi32, #tpu.memory_space<hbm>>, %arg5: memref<16x4096x128xf32, #tpu.memory_space<hbm>>, %arg6: memref<16x4096x128xf32, #tpu.memory_space<hbm>>, %arg7: memref<16x4096x128xf32, #tpu.memory_space<hbm>>, %arg8: memref<12288xf32, #tpu.memory_space<vmem>>, %arg9: memref<64x128xi32, #tpu.memory_space<vmem>>, %arg10: memref<64x128xi32, #tpu.memory_space<vmem>>, %arg11: memref<64x128xf32, #tpu.memory_space<vmem>>, %arg12: memref<64x128xf32, #tpu.memory_space<vmem>>, %arg13: memref<64x128xf32, #tpu.memory_space<vmem>>) attributes {dimension_semantics = [#tpu.dimension_semantics<core_parallel>, #tpu.dimension_semantics<subcore_parallel>], iteration_bounds = array<i64: 2, 16>, scalar_prefetch = 0 : i64, scratch_operands = 6 : i64, tpu.core_type = #tpu.core_type<sc_vector_subcore>, window_params = [{transform_indices = #map}, {transform_indices = #map1}, {transform_indices = #map1}, {transform_indices = #map1}, {transform_indices = #map1}, {transform_indices = #map1}]} {
    %mul3A = arith.constant 2 : i32
    %mul3A_0 = arith.muli %arg1, %mul3A : i32
    %add3A = arith.addi %mul3A_0, %arg0 : i32
    %jit3A = arith.constant 2 : i32
    %div3A = arith.divsi %add3A, %jit3A : i32
    %sign3A = arith.constant 0 : i32
    %sign3A_1 = arith.cmpi sgt, %add3A, %sign3A : i32
    %sign3A_2 = arith.extui %sign3A_1 : i1 to i32
    %sign3A_3 = arith.constant 0 : i32
    %sign3A_4 = arith.cmpi slt, %add3A, %sign3A_3 : i32
    %sign3A_5 = arith.extui %sign3A_4 : i1 to i32
    %sign3A_6 = arith.subi %sign3A_2, %sign3A_5 : i32
    %sign3A_7 = arith.constant 0 : i32
    %sign3A_8 = arith.cmpi sgt, %jit3A, %sign3A_7 : i32
    %sign3A_9 = arith.extui %sign3A_8 : i1 to i32
    %sign3A_10 = arith.constant 0 : i32
    %sign3A_11 = arith.cmpi slt, %jit3A, %sign3A_10 : i32
    %sign3A_12 = arith.extui %sign3A_11 : i1 to i32
    %sign3A_13 = arith.subi %sign3A_9, %sign3A_12 : i32
    %ne3A = arith.cmpi ne, %sign3A_6, %sign3A_13 : i32
    %rem3A = arith.remsi %add3A, %jit3A : i32
    %ne3A_14 = arith.constant 0 : i32
    %ne3A_15 = arith.cmpi ne, %rem3A, %ne3A_14 : i32
    %and3A = arith.andi %ne3A, %ne3A_15 : i1
    %sub3A = arith.constant 1 : i32
    %sub3A_16 = arith.subi %div3A, %sub3A : i32
    %select_n3A = arith.select %and3A, %sub3A_16, %div3A : i32
    %jit3A_17 = arith.constant 2 : i32
    %eq3A = arith.constant 0 : i32
    %eq3A_18 = arith.cmpi eq, %jit3A_17, %eq3A : i32
    %jit3A_19 = arith.constant 1 : i32
    %select_n3A_20 = arith.select %eq3A_18, %jit3A_19, %jit3A_17 : i32
    %rem3A_21 = arith.remsi %add3A, %select_n3A_20 : i32
    %ne3A_22 = arith.constant 0 : i32
    %ne3A_23 = arith.cmpi ne, %rem3A_21, %ne3A_22 : i32
    %lt3A = arith.constant 0 : i32
    %lt3A_24 = arith.cmpi slt, %rem3A_21, %lt3A : i32
    %lt3A_25 = arith.constant 0 : i32
    %lt3A_26 = arith.cmpi slt, %select_n3A_20, %lt3A_25 : i32
    %ne3A_27 = arith.xori %lt3A_24, %lt3A_26 : i1
    %and3A_28 = arith.andi %ne3A_27, %ne3A_23 : i1
    %add3A_29 = arith.addi %rem3A_21, %select_n3A_20 : i32
    %select_n3A_30 = arith.select %and3A_28, %add3A_29, %rem3A_21 : i32
    %mul3A_31 = arith.constant 2048 : i32
    %mul3A_32 = arith.muli %select_n3A_30, %mul3A_31 : i32
    "tpu.region"() ({
      %run_scoped3A = tpu.sem_alloc : memref<!tpu.dma_semaphore, #tpu.memory_space<semaphore_mem>>
      %dma_start3A = arith.constant 0 : i32
      %dma_start3A_41 = tpu.memref_slice %arg2[%select_n3A, %dma_start3A] : memref<16x12288xf32, #tpu.memory_space<hbm>> -> memref<1x12288xf32, #tpu.memory_space<hbm>>
      %dma_start3A_42 = tpu.memref_squeeze %dma_start3A_41 : memref<1x12288xf32, #tpu.memory_space<hbm>> -> memref<12288xf32, #tpu.memory_space<hbm>>
      %dma_start3A_43 = arith.constant 0 : i32
      %dma_start3A_44 = tpu.memref_slice %arg2[%select_n3A, %dma_start3A_43] : memref<16x12288xf32, #tpu.memory_space<hbm>> -> memref<1x12288xf32, #tpu.memory_space<hbm>>
      %dma_start3A_45 = tpu.memref_squeeze %dma_start3A_44 : memref<1x12288xf32, #tpu.memory_space<hbm>> -> memref<12288xf32, #tpu.memory_space<hbm>>
      tpu.enqueue_dma source(%dma_start3A_45 : memref<12288xf32, #tpu.memory_space<hbm>>) target(%arg8 : memref<12288xf32, #tpu.memory_space<vmem>>) target_semaphore(%run_scoped3A : memref<!tpu.dma_semaphore, #tpu.memory_space<semaphore_mem>>)
      %dma_wait3A = arith.constant 0 : i32
      %dma_wait3A_46 = tpu.memref_slice %arg2[%select_n3A, %dma_wait3A] : memref<16x12288xf32, #tpu.memory_space<hbm>> -> memref<1x12288xf32, #tpu.memory_space<hbm>>
      %dma_wait3A_47 = tpu.memref_squeeze %dma_wait3A_46 : memref<1x12288xf32, #tpu.memory_space<hbm>> -> memref<12288xf32, #tpu.memory_space<hbm>>
      %dma_wait3A_48 = arith.constant 0 : i32
      %dma_wait3A_49 = tpu.memref_slice %arg2[%select_n3A, %dma_wait3A_48] : memref<16x12288xf32, #tpu.memory_space<hbm>> -> memref<1x12288xf32, #tpu.memory_space<hbm>>
      %dma_wait3A_50 = tpu.memref_squeeze %dma_wait3A_49 : memref<1x12288xf32, #tpu.memory_space<hbm>> -> memref<12288xf32, #tpu.memory_space<hbm>>
      tpu.wait_dma2 semaphore(%run_scoped3A : memref<!tpu.dma_semaphore, #tpu.memory_space<semaphore_mem>>) src(%dma_wait3A_50 : memref<12288xf32, #tpu.memory_space<hbm>>) dst(%arg8 : memref<12288xf32, #tpu.memory_space<vmem>>)
      tpu.yield
    }) : () -> ()
    %broadcast_in_dim3A = arith.constant 4096 : i32
    %broadcast_in_dim3A_33 = vector.broadcast %broadcast_in_dim3A : i32 to vector<16xi32>
    %broadcast_in_dim3A_34 = arith.constant 8192 : i32
    %broadcast_in_dim3A_35 = vector.broadcast %broadcast_in_dim3A_34 : i32 to vector<16xi32>
    %scan3A = arith.constant 9.99999971E-10 : f32
    %scan3A_36 = arith.constant 0 : i32
    %scan3A_37 = arith.constant 32 : i32
    %scan3A_38 = arith.addi %scan3A_36, %scan3A_37 : i32
    %scan3A_39 = arith.constant 1 : i32
    scf.for %scan3A_41 = %scan3A_36 to %scan3A_38 step %scan3A_39  : i32 {
      %mul3A_42 = arith.constant 64 : i32
      %mul3A_43 = arith.muli %scan3A_41, %mul3A_42 : i32
      %add3A_44 = arith.addi %mul3A_32, %mul3A_43 : i32
      "tpu.region"() ({
        %run_scoped3A = tpu.sem_alloc : memref<!tpu.dma_semaphore, #tpu.memory_space<semaphore_mem>>
        %dma_start3A = arith.constant 0 : i32
        %dma_start3A_50 = tpu.memref_slice %arg3[%select_n3A, %add3A_44, %dma_start3A] : memref<16x4096x128xi32, #tpu.memory_space<hbm>> -> memref<1x64x128xi32, #tpu.memory_space<hbm>>
        %dma_start3A_51 = tpu.memref_squeeze %dma_start3A_50 : memref<1x64x128xi32, #tpu.memory_space<hbm>> -> memref<64x128xi32, #tpu.memory_space<hbm>>
        %dma_start3A_52 = arith.constant 0 : i32
        %dma_start3A_53 = tpu.memref_slice %arg3[%select_n3A, %add3A_44, %dma_start3A_52] : memref<16x4096x128xi32, #tpu.memory_space<hbm>> -> memref<1x64x128xi32, #tpu.memory_space<hbm>>
        %dma_start3A_54 = tpu.memref_squeeze %dma_start3A_53 : memref<1x64x128xi32, #tpu.memory_space<hbm>> -> memref<64x128xi32, #tpu.memory_space<hbm>>
        tpu.enqueue_dma source(%dma_start3A_54 : memref<64x128xi32, #tpu.memory_space<hbm>>) target(%arg9 : memref<64x128xi32, #tpu.memory_space<vmem>>) target_semaphore(%run_scoped3A : memref<!tpu.dma_semaphore, #tpu.memory_space<semaphore_mem>>)
        %dma_wait3A = arith.constant 0 : i32
        %dma_wait3A_55 = tpu.memref_slice %arg3[%select_n3A, %add3A_44, %dma_wait3A] : memref<16x4096x128xi32, #tpu.memory_space<hbm>> -> memref<1x64x128xi32, #tpu.memory_space<hbm>>
        %dma_wait3A_56 = tpu.memref_squeeze %dma_wait3A_55 : memref<1x64x128xi32, #tpu.memory_space<hbm>> -> memref<64x128xi32, #tpu.memory_space<hbm>>
        %dma_wait3A_57 = arith.constant 0 : i32
        %dma_wait3A_58 = tpu.memref_slice %arg3[%select_n3A, %add3A_44, %dma_wait3A_57] : memref<16x4096x128xi32, #tpu.memory_space<hbm>> -> memref<1x64x128xi32, #tpu.memory_space<hbm>>
        %dma_wait3A_59 = tpu.memref_squeeze %dma_wait3A_58 : memref<1x64x128xi32, #tpu.memory_space<hbm>> -> memref<64x128xi32, #tpu.memory_space<hbm>>
        tpu.wait_dma2 semaphore(%run_scoped3A : memref<!tpu.dma_semaphore, #tpu.memory_space<semaphore_mem>>) src(%dma_wait3A_59 : memref<64x128xi32, #tpu.memory_space<hbm>>) dst(%arg9 : memref<64x128xi32, #tpu.memory_space<vmem>>)
        tpu.yield
      }) : () -> ()
      "tpu.region"() ({
        %run_scoped3A = tpu.sem_alloc : memref<!tpu.dma_semaphore, #tpu.memory_space<semaphore_mem>>
        %dma_start3A = arith.constant 0 : i32
        %dma_start3A_50 = tpu.memref_slice %arg4[%select_n3A, %add3A_44, %dma_start3A] : memref<16x4096x128xi32, #tpu.memory_space<hbm>> -> memref<1x64x128xi32, #tpu.memory_space<hbm>>
        %dma_start3A_51 = tpu.memref_squeeze %dma_start3A_50 : memref<1x64x128xi32, #tpu.memory_space<hbm>> -> memref<64x128xi32, #tpu.memory_space<hbm>>
        %dma_start3A_52 = arith.constant 0 : i32
        %dma_start3A_53 = tpu.memref_slice %arg4[%select_n3A, %add3A_44, %dma_start3A_52] : memref<16x4096x128xi32, #tpu.memory_space<hbm>> -> memref<1x64x128xi32, #tpu.memory_space<hbm>>
        %dma_start3A_54 = tpu.memref_squeeze %dma_start3A_53 : memref<1x64x128xi32, #tpu.memory_space<hbm>> -> memref<64x128xi32, #tpu.memory_space<hbm>>
        tpu.enqueue_dma source(%dma_start3A_54 : memref<64x128xi32, #tpu.memory_space<hbm>>) target(%arg10 : memref<64x128xi32, #tpu.memory_space<vmem>>) target_semaphore(%run_scoped3A : memref<!tpu.dma_semaphore, #tpu.memory_space<semaphore_mem>>)
        %dma_wait3A = arith.constant 0 : i32
        %dma_wait3A_55 = tpu.memref_slice %arg4[%select_n3A, %add3A_44, %dma_wait3A] : memref<16x4096x128xi32, #tpu.memory_space<hbm>> -> memref<1x64x128xi32, #tpu.memory_space<hbm>>
        %dma_wait3A_56 = tpu.memref_squeeze %dma_wait3A_55 : memref<1x64x128xi32, #tpu.memory_space<hbm>> -> memref<64x128xi32, #tpu.memory_space<hbm>>
        %dma_wait3A_57 = arith.constant 0 : i32
        %dma_wait3A_58 = tpu.memref_slice %arg4[%select_n3A, %add3A_44, %dma_wait3A_57] : memref<16x4096x128xi32, #tpu.memory_space<hbm>> -> memref<1x64x128xi32, #tpu.memory_space<hbm>>
        %dma_wait3A_59 = tpu.memref_squeeze %dma_wait3A_58 : memref<1x64x128xi32, #tpu.memory_space<hbm>> -> memref<64x128xi32, #tpu.memory_space<hbm>>
        tpu.wait_dma2 semaphore(%run_scoped3A : memref<!tpu.dma_semaphore, #tpu.memory_space<semaphore_mem>>) src(%dma_wait3A_59 : memref<64x128xi32, #tpu.memory_space<hbm>>) dst(%arg10 : memref<64x128xi32, #tpu.memory_space<vmem>>)
        tpu.yield
      }) : () -> ()
      %scan3A_45 = arith.constant 0 : i32
      %scan3A_46 = arith.constant 64 : i32
      %scan3A_47 = arith.addi %scan3A_45, %scan3A_46 : i32
      %scan3A_48 = arith.constant 1 : i32
      scf.for %scan3A_50 = %scan3A_45 to %scan3A_47 step %scan3A_48  : i32 {
        %add3A_51 = arith.addi %add3A_44, %scan3A_50 : i32
        %broadcast_in_dim3A_52 = vector.broadcast %add3A_51 : i32 to vector<16xi32>
        %gather3A = tpu.vector_load_idx %arg8[%broadcast_in_dim3A_52] : memref<12288xf32, #tpu.memory_space<vmem>>[vector<16xi32>], vector<16xf32>,
        %add3A_53 = arith.addi %broadcast_in_dim3A_52, %broadcast_in_dim3A_33 : vector<16xi32>
        %gather3A_54 = tpu.vector_load_idx %arg8[%add3A_53] : memref<12288xf32, #tpu.memory_space<vmem>>[vector<16xi32>], vector<16xf32>,
        %add3A_55 = arith.addi %broadcast_in_dim3A_52, %broadcast_in_dim3A_35 : vector<16xi32>
        %gather3A_56 = tpu.vector_load_idx %arg8[%add3A_55] : memref<12288xf32, #tpu.memory_space<vmem>>[vector<16xi32>], vector<16xf32>,
        %get3A = arith.index_cast %scan3A_50 : i32 to index
        %get3A_57 = arith.constant 0 : index
        %get3A_58 = tpu.vector_load %arg9[%get3A, %get3A_57] {strides = array<i32>} : memref<64x128xi32, #tpu.memory_space<vmem>>, vector<16xi32>,
        %get3A_59 = arith.index_cast %scan3A_50 : i32 to index
        %get3A_60 = arith.constant 0 : index
        %get3A_61 = tpu.vector_load %arg10[%get3A_59, %get3A_60] {strides = array<i32>} : memref<64x128xi32, #tpu.memory_space<vmem>>, vector<16xi32>,
        %gather3A_62 = tpu.vector_load_idx %arg8[%get3A_58] : memref<12288xf32, #tpu.memory_space<vmem>>[vector<16xi32>], vector<16xf32>,
        %add3A_63 = arith.addi %get3A_58, %broadcast_in_dim3A_33 : vector<16xi32>
        %gather3A_64 = tpu.vector_load_idx %arg8[%add3A_63] : memref<12288xf32, #tpu.memory_space<vmem>>[vector<16xi32>], vector<16xf32>,
        %add3A_65 = arith.addi %get3A_58, %broadcast_in_dim3A_35 : vector<16xi32>
        %gather3A_66 = tpu.vector_load_idx %arg8[%add3A_65] : memref<12288xf32, #tpu.memory_space<vmem>>[vector<16xi32>], vector<16xf32>,
        %gather3A_67 = tpu.vector_load_idx %arg8[%get3A_61] : memref<12288xf32, #tpu.memory_space<vmem>>[vector<16xi32>], vector<16xf32>,
        %add3A_68 = arith.addi %get3A_61, %broadcast_in_dim3A_33 : vector<16xi32>
        %gather3A_69 = tpu.vector_load_idx %arg8[%add3A_68] : memref<12288xf32, #tpu.memory_space<vmem>>[vector<16xi32>], vector<16xf32>,
        %add3A_70 = arith.addi %get3A_61, %broadcast_in_dim3A_35 : vector<16xi32>
        %gather3A_71 = tpu.vector_load_idx %arg8[%add3A_70] : memref<12288xf32, #tpu.memory_space<vmem>>[vector<16xi32>], vector<16xf32>,
        %sub3A_72 = arith.subf %gather3A_62, %gather3A : vector<16xf32>
        %sub3A_73 = arith.subf %gather3A_64, %gather3A_54 : vector<16xf32>
        %sub3A_74 = arith.subf %gather3A_66, %gather3A_56 : vector<16xf32>
        %sub3A_75 = arith.subf %gather3A_67, %gather3A : vector<16xf32>
        %sub3A_76 = arith.subf %gather3A_69, %gather3A_54 : vector<16xf32>
        %sub3A_77 = arith.subf %gather3A_71, %gather3A_56 : vector<16xf32>
        %sub3A_78 = arith.subf %gather3A_62, %gather3A_67 : vector<16xf32>
        %sub3A_79 = arith.subf %gather3A_64, %gather3A_69 : vector<16xf32>
        %sub3A_80 = arith.subf %gather3A_66, %gather3A_71 : vector<16xf32>
        %mul3A_81 = arith.mulf %sub3A_72, %sub3A_72 : vector<16xf32>
        %mul3A_82 = arith.mulf %sub3A_73, %sub3A_73 : vector<16xf32>
        %add3A_83 = arith.addf %mul3A_81, %mul3A_82 : vector<16xf32>
        %mul3A_84 = arith.mulf %sub3A_74, %sub3A_74 : vector<16xf32>
        %add3A_85 = arith.addf %add3A_83, %mul3A_84 : vector<16xf32>
        %bitcast3A = vector.bitcast %add3A_85 : vector<16xf32> to vector<16xi32>
        %shift_right_arithmetic3A = arith.constant 1 : i32
        %shift_right_arithmetic3A_86 = vector.broadcast %shift_right_arithmetic3A : i32 to vector<16xi32>
        %shift_right_arithmetic3A_87 = arith.shrsi %bitcast3A, %shift_right_arithmetic3A_86 : vector<16xi32>
        %sub3A_88 = arith.constant 1597463007 : i32
        %sub3A_89 = vector.broadcast %sub3A_88 : i32 to vector<16xi32>
        %sub3A_90 = arith.subi %sub3A_89, %shift_right_arithmetic3A_87 : vector<16xi32>
        %bitcast3A_91 = vector.bitcast %sub3A_90 : vector<16xi32> to vector<16xf32>
        %mul3A_92 = arith.constant 5.000000e-01 : f32
        %mul3A_93 = vector.broadcast %mul3A_92 : f32 to vector<16xf32>
        %mul3A_94 = arith.mulf %add3A_85, %mul3A_93 : vector<16xf32>
        %mul3A_95 = arith.mulf %mul3A_94, %bitcast3A_91 : vector<16xf32>
        %mul3A_96 = arith.mulf %mul3A_95, %bitcast3A_91 : vector<16xf32>
        %sub3A_97 = arith.constant 1.500000e+00 : f32
        %sub3A_98 = vector.broadcast %sub3A_97 : f32 to vector<16xf32>
        %sub3A_99 = arith.subf %sub3A_98, %mul3A_96 : vector<16xf32>
        %mul3A_100 = arith.mulf %bitcast3A_91, %sub3A_99 : vector<16xf32>
        %mul3A_101 = arith.mulf %mul3A_94, %mul3A_100 : vector<16xf32>
        %mul3A_102 = arith.mulf %mul3A_101, %mul3A_100 : vector<16xf32>
        %sub3A_103 = arith.constant 1.500000e+00 : f32
        %sub3A_104 = vector.broadcast %sub3A_103 : f32 to vector<16xf32>
        %sub3A_105 = arith.subf %sub3A_104, %mul3A_102 : vector<16xf32>
        %mul3A_106 = arith.mulf %mul3A_100, %sub3A_105 : vector<16xf32>
        %mul3A_107 = arith.mulf %mul3A_94, %mul3A_106 : vector<16xf32>
        %mul3A_108 = arith.mulf %mul3A_107, %mul3A_106 : vector<16xf32>
        %sub3A_109 = arith.constant 1.500000e+00 : f32
        %sub3A_110 = vector.broadcast %sub3A_109 : f32 to vector<16xf32>
        %sub3A_111 = arith.subf %sub3A_110, %mul3A_108 : vector<16xf32>
        %mul3A_112 = arith.mulf %mul3A_106, %sub3A_111 : vector<16xf32>
        %mul3A_113 = arith.mulf %add3A_85, %mul3A_112 : vector<16xf32>
        %add3A_114 = vector.broadcast %scan3A : f32 to vector<16xf32>
        %add3A_115 = arith.addf %mul3A_113, %add3A_114 : vector<16xf32>
        %mul3A_116 = arith.mulf %sub3A_75, %sub3A_75 : vector<16xf32>
        %mul3A_117 = arith.mulf %sub3A_76, %sub3A_76 : vector<16xf32>
        %add3A_118 = arith.addf %mul3A_116, %mul3A_117 : vector<16xf32>
        %mul3A_119 = arith.mulf %sub3A_77, %sub3A_77 : vector<16xf32>
        %add3A_120 = arith.addf %add3A_118, %mul3A_119 : vector<16xf32>
        %bitcast3A_121 = vector.bitcast %add3A_120 : vector<16xf32> to vector<16xi32>
        %shift_right_arithmetic3A_122 = arith.constant 1 : i32
        %shift_right_arithmetic3A_123 = vector.broadcast %shift_right_arithmetic3A_122 : i32 to vector<16xi32>
        %shift_right_arithmetic3A_124 = arith.shrsi %bitcast3A_121, %shift_right_arithmetic3A_123 : vector<16xi32>
        %sub3A_125 = arith.constant 1597463007 : i32
        %sub3A_126 = vector.broadcast %sub3A_125 : i32 to vector<16xi32>
        %sub3A_127 = arith.subi %sub3A_126, %shift_right_arithmetic3A_124 : vector<16xi32>
        %bitcast3A_128 = vector.bitcast %sub3A_127 : vector<16xi32> to vector<16xf32>
        %mul3A_129 = arith.constant 5.000000e-01 : f32
        %mul3A_130 = vector.broadcast %mul3A_129 : f32 to vector<16xf32>
        %mul3A_131 = arith.mulf %add3A_120, %mul3A_130 : vector<16xf32>
        %mul3A_132 = arith.mulf %mul3A_131, %bitcast3A_128 : vector<16xf32>
        %mul3A_133 = arith.mulf %mul3A_132, %bitcast3A_128 : vector<16xf32>
        %sub3A_134 = arith.constant 1.500000e+00 : f32
        %sub3A_135 = vector.broadcast %sub3A_134 : f32 to vector<16xf32>
        %sub3A_136 = arith.subf %sub3A_135, %mul3A_133 : vector<16xf32>
        %mul3A_137 = arith.mulf %bitcast3A_128, %sub3A_136 : vector<16xf32>
        %mul3A_138 = arith.mulf %mul3A_131, %mul3A_137 : vector<16xf32>
        %mul3A_139 = arith.mulf %mul3A_138, %mul3A_137 : vector<16xf32>
        %sub3A_140 = arith.constant 1.500000e+00 : f32
        %sub3A_141 = vector.broadcast %sub3A_140 : f32 to vector<16xf32>
        %sub3A_142 = arith.subf %sub3A_141, %mul3A_139 : vector<16xf32>
        %mul3A_143 = arith.mulf %mul3A_137, %sub3A_142 : vector<16xf32>
        %mul3A_144 = arith.mulf %mul3A_131, %mul3A_143 : vector<16xf32>
        %mul3A_145 = arith.mulf %mul3A_144, %mul3A_143 : vector<16xf32>
        %sub3A_146 = arith.constant 1.500000e+00 : f32
        %sub3A_147 = vector.broadcast %sub3A_146 : f32 to vector<16xf32>
        %sub3A_148 = arith.subf %sub3A_147, %mul3A_145 : vector<16xf32>
        %mul3A_149 = arith.mulf %mul3A_143, %sub3A_148 : vector<16xf32>
        %mul3A_150 = arith.mulf %add3A_120, %mul3A_149 : vector<16xf32>
        %add3A_151 = vector.broadcast %scan3A : f32 to vector<16xf32>
        %add3A_152 = arith.addf %mul3A_150, %add3A_151 : vector<16xf32>
        %mul3A_153 = arith.mulf %sub3A_78, %sub3A_78 : vector<16xf32>
        %mul3A_154 = arith.mulf %sub3A_79, %sub3A_79 : vector<16xf32>
        %add3A_155 = arith.addf %mul3A_153, %mul3A_154 : vector<16xf32>
        %mul3A_156 = arith.mulf %sub3A_80, %sub3A_80 : vector<16xf32>
        %add3A_157 = arith.addf %add3A_155, %mul3A_156 : vector<16xf32>
        %bitcast3A_158 = vector.bitcast %add3A_157 : vector<16xf32> to vector<16xi32>
        %shift_right_arithmetic3A_159 = arith.constant 1 : i32
        %shift_right_arithmetic3A_160 = vector.broadcast %shift_right_arithmetic3A_159 : i32 to vector<16xi32>
        %shift_right_arithmetic3A_161 = arith.shrsi %bitcast3A_158, %shift_right_arithmetic3A_160 : vector<16xi32>
        %sub3A_162 = arith.constant 1597463007 : i32
        %sub3A_163 = vector.broadcast %sub3A_162 : i32 to vector<16xi32>
        %sub3A_164 = arith.subi %sub3A_163, %shift_right_arithmetic3A_161 : vector<16xi32>
        %bitcast3A_165 = vector.bitcast %sub3A_164 : vector<16xi32> to vector<16xf32>
        %mul3A_166 = arith.constant 5.000000e-01 : f32
        %mul3A_167 = vector.broadcast %mul3A_166 : f32 to vector<16xf32>
        %mul3A_168 = arith.mulf %add3A_157, %mul3A_167 : vector<16xf32>
        %mul3A_169 = arith.mulf %mul3A_168, %bitcast3A_165 : vector<16xf32>
        %mul3A_170 = arith.mulf %mul3A_169, %bitcast3A_165 : vector<16xf32>
        %sub3A_171 = arith.constant 1.500000e+00 : f32
        %sub3A_172 = vector.broadcast %sub3A_171 : f32 to vector<16xf32>
        %sub3A_173 = arith.subf %sub3A_172, %mul3A_170 : vector<16xf32>
        %mul3A_174 = arith.mulf %bitcast3A_165, %sub3A_173 : vector<16xf32>
        %mul3A_175 = arith.mulf %mul3A_168, %mul3A_174 : vector<16xf32>
        %mul3A_176 = arith.mulf %mul3A_175, %mul3A_174 : vector<16xf32>
        %sub3A_177 = arith.constant 1.500000e+00 : f32
        %sub3A_178 = vector.broadcast %sub3A_177 : f32 to vector<16xf32>
        %sub3A_179 = arith.subf %sub3A_178, %mul3A_176 : vector<16xf32>
        %mul3A_180 = arith.mulf %mul3A_174, %sub3A_179 : vector<16xf32>
        %mul3A_181 = arith.mulf %mul3A_168, %mul3A_180 : vector<16xf32>
        %mul3A_182 = arith.mulf %mul3A_181, %mul3A_180 : vector<16xf32>
        %sub3A_183 = arith.constant 1.500000e+00 : f32
        %sub3A_184 = vector.broadcast %sub3A_183 : f32 to vector<16xf32>
        %sub3A_185 = arith.subf %sub3A_184, %mul3A_182 : vector<16xf32>
        %mul3A_186 = arith.mulf %mul3A_180, %sub3A_185 : vector<16xf32>
        %mul3A_187 = arith.mulf %add3A_157, %mul3A_186 : vector<16xf32>
        %add3A_188 = vector.broadcast %scan3A : f32 to vector<16xf32>
        %add3A_189 = arith.addf %mul3A_187, %add3A_188 : vector<16xf32>
        %swap3A = arith.index_cast %scan3A_50 : i32 to index
        %swap3A_190 = arith.constant 0 : index
        %swap3A_191 = tpu.vector_load %arg11[%swap3A, %swap3A_190] {strides = array<i32>} : memref<64x128xf32, #tpu.memory_space<vmem>>, vector<16xf32>,
        tpu.vector_store %arg11[%swap3A, %swap3A_190], %add3A_115 {strides = array<i32>} : memref<64x128xf32, #tpu.memory_space<vmem>>, vector<16xf32>,
        %swap3A_192 = arith.index_cast %scan3A_50 : i32 to index
        %swap3A_193 = arith.constant 0 : index
        %swap3A_194 = tpu.vector_load %arg12[%swap3A_192, %swap3A_193] {strides = array<i32>} : memref<64x128xf32, #tpu.memory_space<vmem>>, vector<16xf32>,
        tpu.vector_store %arg12[%swap3A_192, %swap3A_193], %add3A_152 {strides = array<i32>} : memref<64x128xf32, #tpu.memory_space<vmem>>, vector<16xf32>,
        %swap3A_195 = arith.index_cast %scan3A_50 : i32 to index
        %swap3A_196 = arith.constant 0 : index
        %swap3A_197 = tpu.vector_load %arg13[%swap3A_195, %swap3A_196] {strides = array<i32>} : memref<64x128xf32, #tpu.memory_space<vmem>>, vector<16xf32>,
        tpu.vector_store %arg13[%swap3A_195, %swap3A_196], %add3A_189 {strides = array<i32>} : memref<64x128xf32, #tpu.memory_space<vmem>>, vector<16xf32>,
        %get3A_198 = arith.index_cast %scan3A_50 : i32 to index
        %get3A_199 = arith.constant 16 : index
        %get3A_200 = tpu.vector_load %arg9[%get3A_198, %get3A_199] {strides = array<i32>} : memref<64x128xi32, #tpu.memory_space<vmem>>, vector<16xi32>,
        %get3A_201 = arith.index_cast %scan3A_50 : i32 to index
        %get3A_202 = arith.constant 16 : index
        %get3A_203 = tpu.vector_load %arg10[%get3A_201, %get3A_202] {strides = array<i32>} : memref<64x128xi32, #tpu.memory_space<vmem>>, vector<16xi32>,
        %gather3A_204 = tpu.vector_load_idx %arg8[%get3A_200] : memref<12288xf32, #tpu.memory_space<vmem>>[vector<16xi32>], vector<16xf32>,
        %add3A_205 = arith.addi %get3A_200, %broadcast_in_dim3A_33 : vector<16xi32>
        %gather3A_206 = tpu.vector_load_idx %arg8[%add3A_205] : memref<12288xf32, #tpu.memory_space<vmem>>[vector<16xi32>], vector<16xf32>,
        %add3A_207 = arith.addi %get3A_200, %broadcast_in_dim3A_35 : vector<16xi32>
        %gather3A_208 = tpu.vector_load_idx %arg8[%add3A_207] : memref<12288xf32, #tpu.memory_space<vmem>>[vector<16xi32>], vector<16xf32>,
        %gather3A_209 = tpu.vector_load_idx %arg8[%get3A_203] : memref<12288xf32, #tpu.memory_space<vmem>>[vector<16xi32>], vector<16xf32>,
        %add3A_210 = arith.addi %get3A_203, %broadcast_in_dim3A_33 : vector<16xi32>
        %gather3A_211 = tpu.vector_load_idx %arg8[%add3A_210] : memref<12288xf32, #tpu.memory_space<vmem>>[vector<16xi32>], vector<16xf32>,
        %add3A_212 = arith.addi %get3A_203, %broadcast_in_dim3A_35 : vector<16xi32>
        %gather3A_213 = tpu.vector_load_idx %arg8[%add3A_212] : memref<12288xf32, #tpu.memory_space<vmem>>[vector<16xi32>], vector<16xf32>,
        %sub3A_214 = arith.subf %gather3A_204, %gather3A : vector<16xf32>
        %sub3A_215 = arith.subf %gather3A_206, %gather3A_54 : vector<16xf32>
        %sub3A_216 = arith.subf %gather3A_208, %gather3A_56 : vector<16xf32>
        %sub3A_217 = arith.subf %gather3A_209, %gather3A : vector<16xf32>
        %sub3A_218 = arith.subf %gather3A_211, %gather3A_54 : vector<16xf32>
        %sub3A_219 = arith.subf %gather3A_213, %gather3A_56 : vector<16xf32>
        %sub3A_220 = arith.subf %gather3A_204, %gather3A_209 : vector<16xf32>
        %sub3A_221 = arith.subf %gather3A_206, %gather3A_211 : vector<16xf32>
        %sub3A_222 = arith.subf %gather3A_208, %gather3A_213 : vector<16xf32>
        %mul3A_223 = arith.mulf %sub3A_214, %sub3A_214 : vector<16xf32>
        %mul3A_224 = arith.mulf %sub3A_215, %sub3A_215 : vector<16xf32>
        %add3A_225 = arith.addf %mul3A_223, %mul3A_224 : vector<16xf32>
        %mul3A_226 = arith.mulf %sub3A_216, %sub3A_216 : vector<16xf32>
        %add3A_227 = arith.addf %add3A_225, %mul3A_226 : vector<16xf32>
        %bitcast3A_228 = vector.bitcast %add3A_227 : vector<16xf32> to vector<16xi32>
        %shift_right_arithmetic3A_229 = arith.constant 1 : i32
        %shift_right_arithmetic3A_230 = vector.broadcast %shift_right_arithmetic3A_229 : i32 to vector<16xi32>
        %shift_right_arithmetic3A_231 = arith.shrsi %bitcast3A_228, %shift_right_arithmetic3A_230 : vector<16xi32>
        %sub3A_232 = arith.constant 1597463007 : i32
        %sub3A_233 = vector.broadcast %sub3A_232 : i32 to vector<16xi32>
        %sub3A_234 = arith.subi %sub3A_233, %shift_right_arithmetic3A_231 : vector<16xi32>
        %bitcast3A_235 = vector.bitcast %sub3A_234 : vector<16xi32> to vector<16xf32>
        %mul3A_236 = arith.constant 5.000000e-01 : f32
        %mul3A_237 = vector.broadcast %mul3A_236 : f32 to vector<16xf32>
        %mul3A_238 = arith.mulf %add3A_227, %mul3A_237 : vector<16xf32>
        %mul3A_239 = arith.mulf %mul3A_238, %bitcast3A_235 : vector<16xf32>
        %mul3A_240 = arith.mulf %mul3A_239, %bitcast3A_235 : vector<16xf32>
        %sub3A_241 = arith.constant 1.500000e+00 : f32
        %sub3A_242 = vector.broadcast %sub3A_241 : f32 to vector<16xf32>
        %sub3A_243 = arith.subf %sub3A_242, %mul3A_240 : vector<16xf32>
        %mul3A_244 = arith.mulf %bitcast3A_235, %sub3A_243 : vector<16xf32>
        %mul3A_245 = arith.mulf %mul3A_238, %mul3A_244 : vector<16xf32>
        %mul3A_246 = arith.mulf %mul3A_245, %mul3A_244 : vector<16xf32>
        %sub3A_247 = arith.constant 1.500000e+00 : f32
        %sub3A_248 = vector.broadcast %sub3A_247 : f32 to vector<16xf32>
        %sub3A_249 = arith.subf %sub3A_248, %mul3A_246 : vector<16xf32>
        %mul3A_250 = arith.mulf %mul3A_244, %sub3A_249 : vector<16xf32>
        %mul3A_251 = arith.mulf %mul3A_238, %mul3A_250 : vector<16xf32>
        %mul3A_252 = arith.mulf %mul3A_251, %mul3A_250 : vector<16xf32>
        %sub3A_253 = arith.constant 1.500000e+00 : f32
        %sub3A_254 = vector.broadcast %sub3A_253 : f32 to vector<16xf32>
        %sub3A_255 = arith.subf %sub3A_254, %mul3A_252 : vector<16xf32>
        %mul3A_256 = arith.mulf %mul3A_250, %sub3A_255 : vector<16xf32>
        %mul3A_257 = arith.mulf %add3A_227, %mul3A_256 : vector<16xf32>
        %add3A_258 = vector.broadcast %scan3A : f32 to vector<16xf32>
        %add3A_259 = arith.addf %mul3A_257, %add3A_258 : vector<16xf32>
        %mul3A_260 = arith.mulf %sub3A_217, %sub3A_217 : vector<16xf32>
        %mul3A_261 = arith.mulf %sub3A_218, %sub3A_218 : vector<16xf32>
        %add3A_262 = arith.addf %mul3A_260, %mul3A_261 : vector<16xf32>
        %mul3A_263 = arith.mulf %sub3A_219, %sub3A_219 : vector<16xf32>
        %add3A_264 = arith.addf %add3A_262, %mul3A_263 : vector<16xf32>
        %bitcast3A_265 = vector.bitcast %add3A_264 : vector<16xf32> to vector<16xi32>
        %shift_right_arithmetic3A_266 = arith.constant 1 : i32
        %shift_right_arithmetic3A_267 = vector.broadcast %shift_right_arithmetic3A_266 : i32 to vector<16xi32>
        %shift_right_arithmetic3A_268 = arith.shrsi %bitcast3A_265, %shift_right_arithmetic3A_267 : vector<16xi32>
        %sub3A_269 = arith.constant 1597463007 : i32
        %sub3A_270 = vector.broadcast %sub3A_269 : i32 to vector<16xi32>
        %sub3A_271 = arith.subi %sub3A_270, %shift_right_arithmetic3A_268 : vector<16xi32>
        %bitcast3A_272 = vector.bitcast %sub3A_271 : vector<16xi32> to vector<16xf32>
        %mul3A_273 = arith.constant 5.000000e-01 : f32
        %mul3A_274 = vector.broadcast %mul3A_273 : f32 to vector<16xf32>
        %mul3A_275 = arith.mulf %add3A_264, %mul3A_274 : vector<16xf32>
        %mul3A_276 = arith.mulf %mul3A_275, %bitcast3A_272 : vector<16xf32>
        %mul3A_277 = arith.mulf %mul3A_276, %bitcast3A_272 : vector<16xf32>
        %sub3A_278 = arith.constant 1.500000e+00 : f32
        %sub3A_279 = vector.broadcast %sub3A_278 : f32 to vector<16xf32>
        %sub3A_280 = arith.subf %sub3A_279, %mul3A_277 : vector<16xf32>
        %mul3A_281 = arith.mulf %bitcast3A_272, %sub3A_280 : vector<16xf32>
        %mul3A_282 = arith.mulf %mul3A_275, %mul3A_281 : vector<16xf32>
        %mul3A_283 = arith.mulf %mul3A_282, %mul3A_281 : vector<16xf32>
        %sub3A_284 = arith.constant 1.500000e+00 : f32
        %sub3A_285 = vector.broadcast %sub3A_284 : f32 to vector<16xf32>
        %sub3A_286 = arith.subf %sub3A_285, %mul3A_283 : vector<16xf32>
        %mul3A_287 = arith.mulf %mul3A_281, %sub3A_286 : vector<16xf32>
        %mul3A_288 = arith.mulf %mul3A_275, %mul3A_287 : vector<16xf32>
        %mul3A_289 = arith.mulf %mul3A_288, %mul3A_287 : vector<16xf32>
        %sub3A_290 = arith.constant 1.500000e+00 : f32
        %sub3A_291 = vector.broadcast %sub3A_290 : f32 to vector<16xf32>
        %sub3A_292 = arith.subf %sub3A_291, %mul3A_289 : vector<16xf32>
        %mul3A_293 = arith.mulf %mul3A_287, %sub3A_292 : vector<16xf32>
        %mul3A_294 = arith.mulf %add3A_264, %mul3A_293 : vector<16xf32>
        %add3A_295 = vector.broadcast %scan3A : f32 to vector<16xf32>
        %add3A_296 = arith.addf %mul3A_294, %add3A_295 : vector<16xf32>
        %mul3A_297 = arith.mulf %sub3A_220, %sub3A_220 : vector<16xf32>
        %mul3A_298 = arith.mulf %sub3A_221, %sub3A_221 : vector<16xf32>
        %add3A_299 = arith.addf %mul3A_297, %mul3A_298 : vector<16xf32>
        %mul3A_300 = arith.mulf %sub3A_222, %sub3A_222 : vector<16xf32>
        %add3A_301 = arith.addf %add3A_299, %mul3A_300 : vector<16xf32>
        %bitcast3A_302 = vector.bitcast %add3A_301 : vector<16xf32> to vector<16xi32>
        %shift_right_arithmetic3A_303 = arith.constant 1 : i32
        %shift_right_arithmetic3A_304 = vector.broadcast %shift_right_arithmetic3A_303 : i32 to vector<16xi32>
        %shift_right_arithmetic3A_305 = arith.shrsi %bitcast3A_302, %shift_right_arithmetic3A_304 : vector<16xi32>
        %sub3A_306 = arith.constant 1597463007 : i32
        %sub3A_307 = vector.broadcast %sub3A_306 : i32 to vector<16xi32>
        %sub3A_308 = arith.subi %sub3A_307, %shift_right_arithmetic3A_305 : vector<16xi32>
        %bitcast3A_309 = vector.bitcast %sub3A_308 : vector<16xi32> to vector<16xf32>
        %mul3A_310 = arith.constant 5.000000e-01 : f32
        %mul3A_311 = vector.broadcast %mul3A_310 : f32 to vector<16xf32>
        %mul3A_312 = arith.mulf %add3A_301, %mul3A_311 : vector<16xf32>
        %mul3A_313 = arith.mulf %mul3A_312, %bitcast3A_309 : vector<16xf32>
        %mul3A_314 = arith.mulf %mul3A_313, %bitcast3A_309 : vector<16xf32>
        %sub3A_315 = arith.constant 1.500000e+00 : f32
        %sub3A_316 = vector.broadcast %sub3A_315 : f32 to vector<16xf32>
        %sub3A_317 = arith.subf %sub3A_316, %mul3A_314 : vector<16xf32>
        %mul3A_318 = arith.mulf %bitcast3A_309, %sub3A_317 : vector<16xf32>
        %mul3A_319 = arith.mulf %mul3A_312, %mul3A_318 : vector<16xf32>
        %mul3A_320 = arith.mulf %mul3A_319, %mul3A_318 : vector<16xf32>
        %sub3A_321 = arith.constant 1.500000e+00 : f32
        %sub3A_322 = vector.broadcast %sub3A_321 : f32 to vector<16xf32>
        %sub3A_323 = arith.subf %sub3A_322, %mul3A_320 : vector<16xf32>
        %mul3A_324 = arith.mulf %mul3A_318, %sub3A_323 : vector<16xf32>
        %mul3A_325 = arith.mulf %mul3A_312, %mul3A_324 : vector<16xf32>
        %mul3A_326 = arith.mulf %mul3A_325, %mul3A_324 : vector<16xf32>
        %sub3A_327 = arith.constant 1.500000e+00 : f32
        %sub3A_328 = vector.broadcast %sub3A_327 : f32 to vector<16xf32>
        %sub3A_329 = arith.subf %sub3A_328, %mul3A_326 : vector<16xf32>
        %mul3A_330 = arith.mulf %mul3A_324, %sub3A_329 : vector<16xf32>
        %mul3A_331 = arith.mulf %add3A_301, %mul3A_330 : vector<16xf32>
        %add3A_332 = vector.broadcast %scan3A : f32 to vector<16xf32>
        %add3A_333 = arith.addf %mul3A_331, %add3A_332 : vector<16xf32>
        %swap3A_334 = arith.index_cast %scan3A_50 : i32 to index
        %swap3A_335 = arith.constant 16 : index
        %swap3A_336 = tpu.vector_load %arg11[%swap3A_334, %swap3A_335] {strides = array<i32>} : memref<64x128xf32, #tpu.memory_space<vmem>>, vector<16xf32>,
        tpu.vector_store %arg11[%swap3A_334, %swap3A_335], %add3A_259 {strides = array<i32>} : memref<64x128xf32, #tpu.memory_space<vmem>>, vector<16xf32>,
        %swap3A_337 = arith.index_cast %scan3A_50 : i32 to index
        %swap3A_338 = arith.constant 16 : index
        %swap3A_339 = tpu.vector_load %arg12[%swap3A_337, %swap3A_338] {strides = array<i32>} : memref<64x128xf32, #tpu.memory_space<vmem>>, vector<16xf32>,
        tpu.vector_store %arg12[%swap3A_337, %swap3A_338], %add3A_296 {strides = array<i32>} : memref<64x128xf32, #tpu.memory_space<vmem>>, vector<16xf32>,
        %swap3A_340 = arith.index_cast %scan3A_50 : i32 to index
        %swap3A_341 = arith.constant 16 : index
        %swap3A_342 = tpu.vector_load %arg13[%swap3A_340, %swap3A_341] {strides = array<i32>} : memref<64x128xf32, #tpu.memory_space<vmem>>, vector<16xf32>,
        tpu.vector_store %arg13[%swap3A_340, %swap3A_341], %add3A_333 {strides = array<i32>} : memref<64x128xf32, #tpu.memory_space<vmem>>, vector<16xf32>,
        %get3A_343 = arith.index_cast %scan3A_50 : i32 to index
        %get3A_344 = arith.constant 32 : index
        %get3A_345 = tpu.vector_load %arg9[%get3A_343, %get3A_344] {strides = array<i32>} : memref<64x128xi32, #tpu.memory_space<vmem>>, vector<16xi32>,
        %get3A_346 = arith.index_cast %scan3A_50 : i32 to index
        %get3A_347 = arith.constant 32 : index
        %get3A_348 = tpu.vector_load %arg10[%get3A_346, %get3A_347] {strides = array<i32>} : memref<64x128xi32, #tpu.memory_space<vmem>>, vector<16xi32>,
        %gather3A_349 = tpu.vector_load_idx %arg8[%get3A_345] : memref<12288xf32, #tpu.memory_space<vmem>>[vector<16xi32>], vector<16xf32>,
        %add3A_350 = arith.addi %get3A_345, %broadcast_in_dim3A_33 : vector<16xi32>
        %gather3A_351 = tpu.vector_load_idx %arg8[%add3A_350] : memref<12288xf32, #tpu.memory_space<vmem>>[vector<16xi32>], vector<16xf32>,
        %add3A_352 = arith.addi %get3A_345, %broadcast_in_dim3A_35 : vector<16xi32>
        %gather3A_353 = tpu.vector_load_idx %arg8[%add3A_352] : memref<12288xf32, #tpu.memory_space<vmem>>[vector<16xi32>], vector<16xf32>,
        %gather3A_354 = tpu.vector_load_idx %arg8[%get3A_348] : memref<12288xf32, #tpu.memory_space<vmem>>[vector<16xi32>], vector<16xf32>,
        %add3A_355 = arith.addi %get3A_348, %broadcast_in_dim3A_33 : vector<16xi32>
        %gather3A_356 = tpu.vector_load_idx %arg8[%add3A_355] : memref<12288xf32, #tpu.memory_space<vmem>>[vector<16xi32>], vector<16xf32>,
        %add3A_357 = arith.addi %get3A_348, %broadcast_in_dim3A_35 : vector<16xi32>
        %gather3A_358 = tpu.vector_load_idx %arg8[%add3A_357] : memref<12288xf32, #tpu.memory_space<vmem>>[vector<16xi32>], vector<16xf32>,
        %sub3A_359 = arith.subf %gather3A_349, %gather3A : vector<16xf32>
        %sub3A_360 = arith.subf %gather3A_351, %gather3A_54 : vector<16xf32>
        %sub3A_361 = arith.subf %gather3A_353, %gather3A_56 : vector<16xf32>
        %sub3A_362 = arith.subf %gather3A_354, %gather3A : vector<16xf32>
        %sub3A_363 = arith.subf %gather3A_356, %gather3A_54 : vector<16xf32>
        %sub3A_364 = arith.subf %gather3A_358, %gather3A_56 : vector<16xf32>
        %sub3A_365 = arith.subf %gather3A_349, %gather3A_354 : vector<16xf32>
        %sub3A_366 = arith.subf %gather3A_351, %gather3A_356 : vector<16xf32>
        %sub3A_367 = arith.subf %gather3A_353, %gather3A_358 : vector<16xf32>
        %mul3A_368 = arith.mulf %sub3A_359, %sub3A_359 : vector<16xf32>
        %mul3A_369 = arith.mulf %sub3A_360, %sub3A_360 : vector<16xf32>
        %add3A_370 = arith.addf %mul3A_368, %mul3A_369 : vector<16xf32>
        %mul3A_371 = arith.mulf %sub3A_361, %sub3A_361 : vector<16xf32>
        %add3A_372 = arith.addf %add3A_370, %mul3A_371 : vector<16xf32>
        %bitcast3A_373 = vector.bitcast %add3A_372 : vector<16xf32> to vector<16xi32>
        %shift_right_arithmetic3A_374 = arith.constant 1 : i32
        %shift_right_arithmetic3A_375 = vector.broadcast %shift_right_arithmetic3A_374 : i32 to vector<16xi32>
        %shift_right_arithmetic3A_376 = arith.shrsi %bitcast3A_373, %shift_right_arithmetic3A_375 : vector<16xi32>
        %sub3A_377 = arith.constant 1597463007 : i32
        %sub3A_378 = vector.broadcast %sub3A_377 : i32 to vector<16xi32>
        %sub3A_379 = arith.subi %sub3A_378, %shift_right_arithmetic3A_376 : vector<16xi32>
        %bitcast3A_380 = vector.bitcast %sub3A_379 : vector<16xi32> to vector<16xf32>
        %mul3A_381 = arith.constant 5.000000e-01 : f32
        %mul3A_382 = vector.broadcast %mul3A_381 : f32 to vector<16xf32>
        %mul3A_383 = arith.mulf %add3A_372, %mul3A_382 : vector<16xf32>
        %mul3A_384 = arith.mulf %mul3A_383, %bitcast3A_380 : vector<16xf32>
        %mul3A_385 = arith.mulf %mul3A_384, %bitcast3A_380 : vector<16xf32>
        %sub3A_386 = arith.constant 1.500000e+00 : f32
        %sub3A_387 = vector.broadcast %sub3A_386 : f32 to vector<16xf32>
        %sub3A_388 = arith.subf %sub3A_387, %mul3A_385 : vector<16xf32>
        %mul3A_389 = arith.mulf %bitcast3A_380, %sub3A_388 : vector<16xf32>
        %mul3A_390 = arith.mulf %mul3A_383, %mul3A_389 : vector<16xf32>
        %mul3A_391 = arith.mulf %mul3A_390, %mul3A_389 : vector<16xf32>
        %sub3A_392 = arith.constant 1.500000e+00 : f32
        %sub3A_393 = vector.broadcast %sub3A_392 : f32 to vector<16xf32>
        %sub3A_394 = arith.subf %sub3A_393, %mul3A_391 : vector<16xf32>
        %mul3A_395 = arith.mulf %mul3A_389, %sub3A_394 : vector<16xf32>
        %mul3A_396 = arith.mulf %mul3A_383, %mul3A_395 : vector<16xf32>
        %mul3A_397 = arith.mulf %mul3A_396, %mul3A_395 : vector<16xf32>
        %sub3A_398 = arith.constant 1.500000e+00 : f32
        %sub3A_399 = vector.broadcast %sub3A_398 : f32 to vector<16xf32>
        %sub3A_400 = arith.subf %sub3A_399, %mul3A_397 : vector<16xf32>
        %mul3A_401 = arith.mulf %mul3A_395, %sub3A_400 : vector<16xf32>
        %mul3A_402 = arith.mulf %add3A_372, %mul3A_401 : vector<16xf32>
        %add3A_403 = vector.broadcast %scan3A : f32 to vector<16xf32>
        %add3A_404 = arith.addf %mul3A_402, %add3A_403 : vector<16xf32>
        %mul3A_405 = arith.mulf %sub3A_362, %sub3A_362 : vector<16xf32>
        %mul3A_406 = arith.mulf %sub3A_363, %sub3A_363 : vector<16xf32>
        %add3A_407 = arith.addf %mul3A_405, %mul3A_406 : vector<16xf32>
        %mul3A_408 = arith.mulf %sub3A_364, %sub3A_364 : vector<16xf32>
        %add3A_409 = arith.addf %add3A_407, %mul3A_408 : vector<16xf32>
        %bitcast3A_410 = vector.bitcast %add3A_409 : vector<16xf32> to vector<16xi32>
        %shift_right_arithmetic3A_411 = arith.constant 1 : i32
        %shift_right_arithmetic3A_412 = vector.broadcast %shift_right_arithmetic3A_411 : i32 to vector<16xi32>
        %shift_right_arithmetic3A_413 = arith.shrsi %bitcast3A_410, %shift_right_arithmetic3A_412 : vector<16xi32>
        %sub3A_414 = arith.constant 1597463007 : i32
        %sub3A_415 = vector.broadcast %sub3A_414 : i32 to vector<16xi32>
        %sub3A_416 = arith.subi %sub3A_415, %shift_right_arithmetic3A_413 : vector<16xi32>
        %bitcast3A_417 = vector.bitcast %sub3A_416 : vector<16xi32> to vector<16xf32>
        %mul3A_418 = arith.constant 5.000000e-01 : f32
        %mul3A_419 = vector.broadcast %mul3A_418 : f32 to vector<16xf32>
        %mul3A_420 = arith.mulf %add3A_409, %mul3A_419 : vector<16xf32>
        %mul3A_421 = arith.mulf %mul3A_420, %bitcast3A_417 : vector<16xf32>
        %mul3A_422 = arith.mulf %mul3A_421, %bitcast3A_417 : vector<16xf32>
        %sub3A_423 = arith.constant 1.500000e+00 : f32
        %sub3A_424 = vector.broadcast %sub3A_423 : f32 to vector<16xf32>
        %sub3A_425 = arith.subf %sub3A_424, %mul3A_422 : vector<16xf32>
        %mul3A_426 = arith.mulf %bitcast3A_417, %sub3A_425 : vector<16xf32>
        %mul3A_427 = arith.mulf %mul3A_420, %mul3A_426 : vector<16xf32>
        %mul3A_428 = arith.mulf %mul3A_427, %mul3A_426 : vector<16xf32>
        %sub3A_429 = arith.constant 1.500000e+00 : f32
        %sub3A_430 = vector.broadcast %sub3A_429 : f32 to vector<16xf32>
        %sub3A_431 = arith.subf %sub3A_430, %mul3A_428 : vector<16xf32>
        %mul3A_432 = arith.mulf %mul3A_426, %sub3A_431 : vector<16xf32>
        %mul3A_433 = arith.mulf %mul3A_420, %mul3A_432 : vector<16xf32>
        %mul3A_434 = arith.mulf %mul3A_433, %mul3A_432 : vector<16xf32>
        %sub3A_435 = arith.constant 1.500000e+00 : f32
        %sub3A_436 = vector.broadcast %sub3A_435 : f32 to vector<16xf32>
        %sub3A_437 = arith.subf %sub3A_436, %mul3A_434 : vector<16xf32>
        %mul3A_438 = arith.mulf %mul3A_432, %sub3A_437 : vector<16xf32>
        %mul3A_439 = arith.mulf %add3A_409, %mul3A_438 : vector<16xf32>
        %add3A_440 = vector.broadcast %scan3A : f32 to vector<16xf32>
        %add3A_441 = arith.addf %mul3A_439, %add3A_440 : vector<16xf32>
        %mul3A_442 = arith.mulf %sub3A_365, %sub3A_365 : vector<16xf32>
        %mul3A_443 = arith.mulf %sub3A_366, %sub3A_366 : vector<16xf32>
        %add3A_444 = arith.addf %mul3A_442, %mul3A_443 : vector<16xf32>
        %mul3A_445 = arith.mulf %sub3A_367, %sub3A_367 : vector<16xf32>
        %add3A_446 = arith.addf %add3A_444, %mul3A_445 : vector<16xf32>
        %bitcast3A_447 = vector.bitcast %add3A_446 : vector<16xf32> to vector<16xi32>
        %shift_right_arithmetic3A_448 = arith.constant 1 : i32
        %shift_right_arithmetic3A_449 = vector.broadcast %shift_right_arithmetic3A_448 : i32 to vector<16xi32>
        %shift_right_arithmetic3A_450 = arith.shrsi %bitcast3A_447, %shift_right_arithmetic3A_449 : vector<16xi32>
        %sub3A_451 = arith.constant 1597463007 : i32
        %sub3A_452 = vector.broadcast %sub3A_451 : i32 to vector<16xi32>
        %sub3A_453 = arith.subi %sub3A_452, %shift_right_arithmetic3A_450 : vector<16xi32>
        %bitcast3A_454 = vector.bitcast %sub3A_453 : vector<16xi32> to vector<16xf32>
        %mul3A_455 = arith.constant 5.000000e-01 : f32
        %mul3A_456 = vector.broadcast %mul3A_455 : f32 to vector<16xf32>
        %mul3A_457 = arith.mulf %add3A_446, %mul3A_456 : vector<16xf32>
        %mul3A_458 = arith.mulf %mul3A_457, %bitcast3A_454 : vector<16xf32>
        %mul3A_459 = arith.mulf %mul3A_458, %bitcast3A_454 : vector<16xf32>
        %sub3A_460 = arith.constant 1.500000e+00 : f32
        %sub3A_461 = vector.broadcast %sub3A_460 : f32 to vector<16xf32>
        %sub3A_462 = arith.subf %sub3A_461, %mul3A_459 : vector<16xf32>
        %mul3A_463 = arith.mulf %bitcast3A_454, %sub3A_462 : vector<16xf32>
        %mul3A_464 = arith.mulf %mul3A_457, %mul3A_463 : vector<16xf32>
        %mul3A_465 = arith.mulf %mul3A_464, %mul3A_463 : vector<16xf32>
        %sub3A_466 = arith.constant 1.500000e+00 : f32
        %sub3A_467 = vector.broadcast %sub3A_466 : f32 to vector<16xf32>
        %sub3A_468 = arith.subf %sub3A_467, %mul3A_465 : vector<16xf32>
        %mul3A_469 = arith.mulf %mul3A_463, %sub3A_468 : vector<16xf32>
        %mul3A_470 = arith.mulf %mul3A_457, %mul3A_469 : vector<16xf32>
        %mul3A_471 = arith.mulf %mul3A_470, %mul3A_469 : vector<16xf32>
        %sub3A_472 = arith.constant 1.500000e+00 : f32
        %sub3A_473 = vector.broadcast %sub3A_472 : f32 to vector<16xf32>
        %sub3A_474 = arith.subf %sub3A_473, %mul3A_471 : vector<16xf32>
        %mul3A_475 = arith.mulf %mul3A_469, %sub3A_474 : vector<16xf32>
        %mul3A_476 = arith.mulf %add3A_446, %mul3A_475 : vector<16xf32>
        %add3A_477 = vector.broadcast %scan3A : f32 to vector<16xf32>
        %add3A_478 = arith.addf %mul3A_476, %add3A_477 : vector<16xf32>
        %swap3A_479 = arith.index_cast %scan3A_50 : i32 to index
        %swap3A_480 = arith.constant 32 : index
        %swap3A_481 = tpu.vector_load %arg11[%swap3A_479, %swap3A_480] {strides = array<i32>} : memref<64x128xf32, #tpu.memory_space<vmem>>, vector<16xf32>,
        tpu.vector_store %arg11[%swap3A_479, %swap3A_480], %add3A_404 {strides = array<i32>} : memref<64x128xf32, #tpu.memory_space<vmem>>, vector<16xf32>,
        %swap3A_482 = arith.index_cast %scan3A_50 : i32 to index
        %swap3A_483 = arith.constant 32 : index
        %swap3A_484 = tpu.vector_load %arg12[%swap3A_482, %swap3A_483] {strides = array<i32>} : memref<64x128xf32, #tpu.memory_space<vmem>>, vector<16xf32>,
        tpu.vector_store %arg12[%swap3A_482, %swap3A_483], %add3A_441 {strides = array<i32>} : memref<64x128xf32, #tpu.memory_space<vmem>>, vector<16xf32>,
        %swap3A_485 = arith.index_cast %scan3A_50 : i32 to index
        %swap3A_486 = arith.constant 32 : index
        %swap3A_487 = tpu.vector_load %arg13[%swap3A_485, %swap3A_486] {strides = array<i32>} : memref<64x128xf32, #tpu.memory_space<vmem>>, vector<16xf32>,
        tpu.vector_store %arg13[%swap3A_485, %swap3A_486], %add3A_478 {strides = array<i32>} : memref<64x128xf32, #tpu.memory_space<vmem>>, vector<16xf32>,
        %get3A_488 = arith.index_cast %scan3A_50 : i32 to index
        %get3A_489 = arith.constant 48 : index
        %get3A_490 = tpu.vector_load %arg9[%get3A_488, %get3A_489] {strides = array<i32>} : memref<64x128xi32, #tpu.memory_space<vmem>>, vector<16xi32>,
        %get3A_491 = arith.index_cast %scan3A_50 : i32 to index
        %get3A_492 = arith.constant 48 : index
        %get3A_493 = tpu.vector_load %arg10[%get3A_491, %get3A_492] {strides = array<i32>} : memref<64x128xi32, #tpu.memory_space<vmem>>, vector<16xi32>,
        %gather3A_494 = tpu.vector_load_idx %arg8[%get3A_490] : memref<12288xf32, #tpu.memory_space<vmem>>[vector<16xi32>], vector<16xf32>,
        %add3A_495 = arith.addi %get3A_490, %broadcast_in_dim3A_33 : vector<16xi32>
        %gather3A_496 = tpu.vector_load_idx %arg8[%add3A_495] : memref<12288xf32, #tpu.memory_space<vmem>>[vector<16xi32>], vector<16xf32>,
        %add3A_497 = arith.addi %get3A_490, %broadcast_in_dim3A_35 : vector<16xi32>
        %gather3A_498 = tpu.vector_load_idx %arg8[%add3A_497] : memref<12288xf32, #tpu.memory_space<vmem>>[vector<16xi32>], vector<16xf32>,
        %gather3A_499 = tpu.vector_load_idx %arg8[%get3A_493] : memref<12288xf32, #tpu.memory_space<vmem>>[vector<16xi32>], vector<16xf32>,
        %add3A_500 = arith.addi %get3A_493, %broadcast_in_dim3A_33 : vector<16xi32>
        %gather3A_501 = tpu.vector_load_idx %arg8[%add3A_500] : memref<12288xf32, #tpu.memory_space<vmem>>[vector<16xi32>], vector<16xf32>,
        %add3A_502 = arith.addi %get3A_493, %broadcast_in_dim3A_35 : vector<16xi32>
        %gather3A_503 = tpu.vector_load_idx %arg8[%add3A_502] : memref<12288xf32, #tpu.memory_space<vmem>>[vector<16xi32>], vector<16xf32>,
        %sub3A_504 = arith.subf %gather3A_494, %gather3A : vector<16xf32>
        %sub3A_505 = arith.subf %gather3A_496, %gather3A_54 : vector<16xf32>
        %sub3A_506 = arith.subf %gather3A_498, %gather3A_56 : vector<16xf32>
        %sub3A_507 = arith.subf %gather3A_499, %gather3A : vector<16xf32>
        %sub3A_508 = arith.subf %gather3A_501, %gather3A_54 : vector<16xf32>
        %sub3A_509 = arith.subf %gather3A_503, %gather3A_56 : vector<16xf32>
        %sub3A_510 = arith.subf %gather3A_494, %gather3A_499 : vector<16xf32>
        %sub3A_511 = arith.subf %gather3A_496, %gather3A_501 : vector<16xf32>
        %sub3A_512 = arith.subf %gather3A_498, %gather3A_503 : vector<16xf32>
        %mul3A_513 = arith.mulf %sub3A_504, %sub3A_504 : vector<16xf32>
        %mul3A_514 = arith.mulf %sub3A_505, %sub3A_505 : vector<16xf32>
        %add3A_515 = arith.addf %mul3A_513, %mul3A_514 : vector<16xf32>
        %mul3A_516 = arith.mulf %sub3A_506, %sub3A_506 : vector<16xf32>
        %add3A_517 = arith.addf %add3A_515, %mul3A_516 : vector<16xf32>
        %bitcast3A_518 = vector.bitcast %add3A_517 : vector<16xf32> to vector<16xi32>
        %shift_right_arithmetic3A_519 = arith.constant 1 : i32
        %shift_right_arithmetic3A_520 = vector.broadcast %shift_right_arithmetic3A_519 : i32 to vector<16xi32>
        %shift_right_arithmetic3A_521 = arith.shrsi %bitcast3A_518, %shift_right_arithmetic3A_520 : vector<16xi32>
        %sub3A_522 = arith.constant 1597463007 : i32
        %sub3A_523 = vector.broadcast %sub3A_522 : i32 to vector<16xi32>
        %sub3A_524 = arith.subi %sub3A_523, %shift_right_arithmetic3A_521 : vector<16xi32>
        %bitcast3A_525 = vector.bitcast %sub3A_524 : vector<16xi32> to vector<16xf32>
        %mul3A_526 = arith.constant 5.000000e-01 : f32
        %mul3A_527 = vector.broadcast %mul3A_526 : f32 to vector<16xf32>
        %mul3A_528 = arith.mulf %add3A_517, %mul3A_527 : vector<16xf32>
        %mul3A_529 = arith.mulf %mul3A_528, %bitcast3A_525 : vector<16xf32>
        %mul3A_530 = arith.mulf %mul3A_529, %bitcast3A_525 : vector<16xf32>
        %sub3A_531 = arith.constant 1.500000e+00 : f32
        %sub3A_532 = vector.broadcast %sub3A_531 : f32 to vector<16xf32>
        %sub3A_533 = arith.subf %sub3A_532, %mul3A_530 : vector<16xf32>
        %mul3A_534 = arith.mulf %bitcast3A_525, %sub3A_533 : vector<16xf32>
        %mul3A_535 = arith.mulf %mul3A_528, %mul3A_534 : vector<16xf32>
        %mul3A_536 = arith.mulf %mul3A_535, %mul3A_534 : vector<16xf32>
        %sub3A_537 = arith.constant 1.500000e+00 : f32
        %sub3A_538 = vector.broadcast %sub3A_537 : f32 to vector<16xf32>
        %sub3A_539 = arith.subf %sub3A_538, %mul3A_536 : vector<16xf32>
        %mul3A_540 = arith.mulf %mul3A_534, %sub3A_539 : vector<16xf32>
        %mul3A_541 = arith.mulf %mul3A_528, %mul3A_540 : vector<16xf32>
        %mul3A_542 = arith.mulf %mul3A_541, %mul3A_540 : vector<16xf32>
        %sub3A_543 = arith.constant 1.500000e+00 : f32
        %sub3A_544 = vector.broadcast %sub3A_543 : f32 to vector<16xf32>
        %sub3A_545 = arith.subf %sub3A_544, %mul3A_542 : vector<16xf32>
        %mul3A_546 = arith.mulf %mul3A_540, %sub3A_545 : vector<16xf32>
        %mul3A_547 = arith.mulf %add3A_517, %mul3A_546 : vector<16xf32>
        %add3A_548 = vector.broadcast %scan3A : f32 to vector<16xf32>
        %add3A_549 = arith.addf %mul3A_547, %add3A_548 : vector<16xf32>
        %mul3A_550 = arith.mulf %sub3A_507, %sub3A_507 : vector<16xf32>
        %mul3A_551 = arith.mulf %sub3A_508, %sub3A_508 : vector<16xf32>
        %add3A_552 = arith.addf %mul3A_550, %mul3A_551 : vector<16xf32>
        %mul3A_553 = arith.mulf %sub3A_509, %sub3A_509 : vector<16xf32>
        %add3A_554 = arith.addf %add3A_552, %mul3A_553 : vector<16xf32>
        %bitcast3A_555 = vector.bitcast %add3A_554 : vector<16xf32> to vector<16xi32>
        %shift_right_arithmetic3A_556 = arith.constant 1 : i32
        %shift_right_arithmetic3A_557 = vector.broadcast %shift_right_arithmetic3A_556 : i32 to vector<16xi32>
        %shift_right_arithmetic3A_558 = arith.shrsi %bitcast3A_555, %shift_right_arithmetic3A_557 : vector<16xi32>
        %sub3A_559 = arith.constant 1597463007 : i32
        %sub3A_560 = vector.broadcast %sub3A_559 : i32 to vector<16xi32>
        %sub3A_561 = arith.subi %sub3A_560, %shift_right_arithmetic3A_558 : vector<16xi32>
        %bitcast3A_562 = vector.bitcast %sub3A_561 : vector<16xi32> to vector<16xf32>
        %mul3A_563 = arith.constant 5.000000e-01 : f32
        %mul3A_564 = vector.broadcast %mul3A_563 : f32 to vector<16xf32>
        %mul3A_565 = arith.mulf %add3A_554, %mul3A_564 : vector<16xf32>
        %mul3A_566 = arith.mulf %mul3A_565, %bitcast3A_562 : vector<16xf32>
        %mul3A_567 = arith.mulf %mul3A_566, %bitcast3A_562 : vector<16xf32>
        %sub3A_568 = arith.constant 1.500000e+00 : f32
        %sub3A_569 = vector.broadcast %sub3A_568 : f32 to vector<16xf32>
        %sub3A_570 = arith.subf %sub3A_569, %mul3A_567 : vector<16xf32>
        %mul3A_571 = arith.mulf %bitcast3A_562, %sub3A_570 : vector<16xf32>
        %mul3A_572 = arith.mulf %mul3A_565, %mul3A_571 : vector<16xf32>
        %mul3A_573 = arith.mulf %mul3A_572, %mul3A_571 : vector<16xf32>
        %sub3A_574 = arith.constant 1.500000e+00 : f32
        %sub3A_575 = vector.broadcast %sub3A_574 : f32 to vector<16xf32>
        %sub3A_576 = arith.subf %sub3A_575, %mul3A_573 : vector<16xf32>
        %mul3A_577 = arith.mulf %mul3A_571, %sub3A_576 : vector<16xf32>
        %mul3A_578 = arith.mulf %mul3A_565, %mul3A_577 : vector<16xf32>
        %mul3A_579 = arith.mulf %mul3A_578, %mul3A_577 : vector<16xf32>
        %sub3A_580 = arith.constant 1.500000e+00 : f32
        %sub3A_581 = vector.broadcast %sub3A_580 : f32 to vector<16xf32>
        %sub3A_582 = arith.subf %sub3A_581, %mul3A_579 : vector<16xf32>
        %mul3A_583 = arith.mulf %mul3A_577, %sub3A_582 : vector<16xf32>
        %mul3A_584 = arith.mulf %add3A_554, %mul3A_583 : vector<16xf32>
        %add3A_585 = vector.broadcast %scan3A : f32 to vector<16xf32>
        %add3A_586 = arith.addf %mul3A_584, %add3A_585 : vector<16xf32>
        %mul3A_587 = arith.mulf %sub3A_510, %sub3A_510 : vector<16xf32>
        %mul3A_588 = arith.mulf %sub3A_511, %sub3A_511 : vector<16xf32>
        %add3A_589 = arith.addf %mul3A_587, %mul3A_588 : vector<16xf32>
        %mul3A_590 = arith.mulf %sub3A_512, %sub3A_512 : vector<16xf32>
        %add3A_591 = arith.addf %add3A_589, %mul3A_590 : vector<16xf32>
        %bitcast3A_592 = vector.bitcast %add3A_591 : vector<16xf32> to vector<16xi32>
        %shift_right_arithmetic3A_593 = arith.constant 1 : i32
        %shift_right_arithmetic3A_594 = vector.broadcast %shift_right_arithmetic3A_593 : i32 to vector<16xi32>
        %shift_right_arithmetic3A_595 = arith.shrsi %bitcast3A_592, %shift_right_arithmetic3A_594 : vector<16xi32>
        %sub3A_596 = arith.constant 1597463007 : i32
        %sub3A_597 = vector.broadcast %sub3A_596 : i32 to vector<16xi32>
        %sub3A_598 = arith.subi %sub3A_597, %shift_right_arithmetic3A_595 : vector<16xi32>
        %bitcast3A_599 = vector.bitcast %sub3A_598 : vector<16xi32> to vector<16xf32>
        %mul3A_600 = arith.constant 5.000000e-01 : f32
        %mul3A_601 = vector.broadcast %mul3A_600 : f32 to vector<16xf32>
        %mul3A_602 = arith.mulf %add3A_591, %mul3A_601 : vector<16xf32>
        %mul3A_603 = arith.mulf %mul3A_602, %bitcast3A_599 : vector<16xf32>
        %mul3A_604 = arith.mulf %mul3A_603, %bitcast3A_599 : vector<16xf32>
        %sub3A_605 = arith.constant 1.500000e+00 : f32
        %sub3A_606 = vector.broadcast %sub3A_605 : f32 to vector<16xf32>
        %sub3A_607 = arith.subf %sub3A_606, %mul3A_604 : vector<16xf32>
        %mul3A_608 = arith.mulf %bitcast3A_599, %sub3A_607 : vector<16xf32>
        %mul3A_609 = arith.mulf %mul3A_602, %mul3A_608 : vector<16xf32>
        %mul3A_610 = arith.mulf %mul3A_609, %mul3A_608 : vector<16xf32>
        %sub3A_611 = arith.constant 1.500000e+00 : f32
        %sub3A_612 = vector.broadcast %sub3A_611 : f32 to vector<16xf32>
        %sub3A_613 = arith.subf %sub3A_612, %mul3A_610 : vector<16xf32>
        %mul3A_614 = arith.mulf %mul3A_608, %sub3A_613 : vector<16xf32>
        %mul3A_615 = arith.mulf %mul3A_602, %mul3A_614 : vector<16xf32>
        %mul3A_616 = arith.mulf %mul3A_615, %mul3A_614 : vector<16xf32>
        %sub3A_617 = arith.constant 1.500000e+00 : f32
        %sub3A_618 = vector.broadcast %sub3A_617 : f32 to vector<16xf32>
        %sub3A_619 = arith.subf %sub3A_618, %mul3A_616 : vector<16xf32>
        %mul3A_620 = arith.mulf %mul3A_614, %sub3A_619 : vector<16xf32>
        %mul3A_621 = arith.mulf %add3A_591, %mul3A_620 : vector<16xf32>
        %add3A_622 = vector.broadcast %scan3A : f32 to vector<16xf32>
        %add3A_623 = arith.addf %mul3A_621, %add3A_622 : vector<16xf32>
        %swap3A_624 = arith.index_cast %scan3A_50 : i32 to index
        %swap3A_625 = arith.constant 48 : index
        %swap3A_626 = tpu.vector_load %arg11[%swap3A_624, %swap3A_625] {strides = array<i32>} : memref<64x128xf32, #tpu.memory_space<vmem>>, vector<16xf32>,
        tpu.vector_store %arg11[%swap3A_624, %swap3A_625], %add3A_549 {strides = array<i32>} : memref<64x128xf32, #tpu.memory_space<vmem>>, vector<16xf32>,
        %swap3A_627 = arith.index_cast %scan3A_50 : i32 to index
        %swap3A_628 = arith.constant 48 : index
        %swap3A_629 = tpu.vector_load %arg12[%swap3A_627, %swap3A_628] {strides = array<i32>} : memref<64x128xf32, #tpu.memory_space<vmem>>, vector<16xf32>,
        tpu.vector_store %arg12[%swap3A_627, %swap3A_628], %add3A_586 {strides = array<i32>} : memref<64x128xf32, #tpu.memory_space<vmem>>, vector<16xf32>,
        %swap3A_630 = arith.index_cast %scan3A_50 : i32 to index
        %swap3A_631 = arith.constant 48 : index
        %swap3A_632 = tpu.vector_load %arg13[%swap3A_630, %swap3A_631] {strides = array<i32>} : memref<64x128xf32, #tpu.memory_space<vmem>>, vector<16xf32>,
        tpu.vector_store %arg13[%swap3A_630, %swap3A_631], %add3A_623 {strides = array<i32>} : memref<64x128xf32, #tpu.memory_space<vmem>>, vector<16xf32>,
        %get3A_633 = arith.index_cast %scan3A_50 : i32 to index
        %get3A_634 = arith.constant 64 : index
        %get3A_635 = tpu.vector_load %arg9[%get3A_633, %get3A_634] {strides = array<i32>} : memref<64x128xi32, #tpu.memory_space<vmem>>, vector<16xi32>,
        %get3A_636 = arith.index_cast %scan3A_50 : i32 to index
        %get3A_637 = arith.constant 64 : index
        %get3A_638 = tpu.vector_load %arg10[%get3A_636, %get3A_637] {strides = array<i32>} : memref<64x128xi32, #tpu.memory_space<vmem>>, vector<16xi32>,
        %gather3A_639 = tpu.vector_load_idx %arg8[%get3A_635] : memref<12288xf32, #tpu.memory_space<vmem>>[vector<16xi32>], vector<16xf32>,
        %add3A_640 = arith.addi %get3A_635, %broadcast_in_dim3A_33 : vector<16xi32>
        %gather3A_641 = tpu.vector_load_idx %arg8[%add3A_640] : memref<12288xf32, #tpu.memory_space<vmem>>[vector<16xi32>], vector<16xf32>,
        %add3A_642 = arith.addi %get3A_635, %broadcast_in_dim3A_35 : vector<16xi32>
        %gather3A_643 = tpu.vector_load_idx %arg8[%add3A_642] : memref<12288xf32, #tpu.memory_space<vmem>>[vector<16xi32>], vector<16xf32>,
        %gather3A_644 = tpu.vector_load_idx %arg8[%get3A_638] : memref<12288xf32, #tpu.memory_space<vmem>>[vector<16xi32>], vector<16xf32>,
        %add3A_645 = arith.addi %get3A_638, %broadcast_in_dim3A_33 : vector<16xi32>
        %gather3A_646 = tpu.vector_load_idx %arg8[%add3A_645] : memref<12288xf32, #tpu.memory_space<vmem>>[vector<16xi32>], vector<16xf32>,
        %add3A_647 = arith.addi %get3A_638, %broadcast_in_dim3A_35 : vector<16xi32>
        %gather3A_648 = tpu.vector_load_idx %arg8[%add3A_647] : memref<12288xf32, #tpu.memory_space<vmem>>[vector<16xi32>], vector<16xf32>,
        %sub3A_649 = arith.subf %gather3A_639, %gather3A : vector<16xf32>
        %sub3A_650 = arith.subf %gather3A_641, %gather3A_54 : vector<16xf32>
        %sub3A_651 = arith.subf %gather3A_643, %gather3A_56 : vector<16xf32>
        %sub3A_652 = arith.subf %gather3A_644, %gather3A : vector<16xf32>
        %sub3A_653 = arith.subf %gather3A_646, %gather3A_54 : vector<16xf32>
        %sub3A_654 = arith.subf %gather3A_648, %gather3A_56 : vector<16xf32>
        %sub3A_655 = arith.subf %gather3A_639, %gather3A_644 : vector<16xf32>
        %sub3A_656 = arith.subf %gather3A_641, %gather3A_646 : vector<16xf32>
        %sub3A_657 = arith.subf %gather3A_643, %gather3A_648 : vector<16xf32>
        %mul3A_658 = arith.mulf %sub3A_649, %sub3A_649 : vector<16xf32>
        %mul3A_659 = arith.mulf %sub3A_650, %sub3A_650 : vector<16xf32>
        %add3A_660 = arith.addf %mul3A_658, %mul3A_659 : vector<16xf32>
        %mul3A_661 = arith.mulf %sub3A_651, %sub3A_651 : vector<16xf32>
        %add3A_662 = arith.addf %add3A_660, %mul3A_661 : vector<16xf32>
        %bitcast3A_663 = vector.bitcast %add3A_662 : vector<16xf32> to vector<16xi32>
        %shift_right_arithmetic3A_664 = arith.constant 1 : i32
        %shift_right_arithmetic3A_665 = vector.broadcast %shift_right_arithmetic3A_664 : i32 to vector<16xi32>
        %shift_right_arithmetic3A_666 = arith.shrsi %bitcast3A_663, %shift_right_arithmetic3A_665 : vector<16xi32>
        %sub3A_667 = arith.constant 1597463007 : i32
        %sub3A_668 = vector.broadcast %sub3A_667 : i32 to vector<16xi32>
        %sub3A_669 = arith.subi %sub3A_668, %shift_right_arithmetic3A_666 : vector<16xi32>
        %bitcast3A_670 = vector.bitcast %sub3A_669 : vector<16xi32> to vector<16xf32>
        %mul3A_671 = arith.constant 5.000000e-01 : f32
        %mul3A_672 = vector.broadcast %mul3A_671 : f32 to vector<16xf32>
        %mul3A_673 = arith.mulf %add3A_662, %mul3A_672 : vector<16xf32>
        %mul3A_674 = arith.mulf %mul3A_673, %bitcast3A_670 : vector<16xf32>
        %mul3A_675 = arith.mulf %mul3A_674, %bitcast3A_670 : vector<16xf32>
        %sub3A_676 = arith.constant 1.500000e+00 : f32
        %sub3A_677 = vector.broadcast %sub3A_676 : f32 to vector<16xf32>
        %sub3A_678 = arith.subf %sub3A_677, %mul3A_675 : vector<16xf32>
        %mul3A_679 = arith.mulf %bitcast3A_670, %sub3A_678 : vector<16xf32>
        %mul3A_680 = arith.mulf %mul3A_673, %mul3A_679 : vector<16xf32>
        %mul3A_681 = arith.mulf %mul3A_680, %mul3A_679 : vector<16xf32>
        %sub3A_682 = arith.constant 1.500000e+00 : f32
        %sub3A_683 = vector.broadcast %sub3A_682 : f32 to vector<16xf32>
        %sub3A_684 = arith.subf %sub3A_683, %mul3A_681 : vector<16xf32>
        %mul3A_685 = arith.mulf %mul3A_679, %sub3A_684 : vector<16xf32>
        %mul3A_686 = arith.mulf %mul3A_673, %mul3A_685 : vector<16xf32>
        %mul3A_687 = arith.mulf %mul3A_686, %mul3A_685 : vector<16xf32>
        %sub3A_688 = arith.constant 1.500000e+00 : f32
        %sub3A_689 = vector.broadcast %sub3A_688 : f32 to vector<16xf32>
        %sub3A_690 = arith.subf %sub3A_689, %mul3A_687 : vector<16xf32>
        %mul3A_691 = arith.mulf %mul3A_685, %sub3A_690 : vector<16xf32>
        %mul3A_692 = arith.mulf %add3A_662, %mul3A_691 : vector<16xf32>
        %add3A_693 = vector.broadcast %scan3A : f32 to vector<16xf32>
        %add3A_694 = arith.addf %mul3A_692, %add3A_693 : vector<16xf32>
        %mul3A_695 = arith.mulf %sub3A_652, %sub3A_652 : vector<16xf32>
        %mul3A_696 = arith.mulf %sub3A_653, %sub3A_653 : vector<16xf32>
        %add3A_697 = arith.addf %mul3A_695, %mul3A_696 : vector<16xf32>
        %mul3A_698 = arith.mulf %sub3A_654, %sub3A_654 : vector<16xf32>
        %add3A_699 = arith.addf %add3A_697, %mul3A_698 : vector<16xf32>
        %bitcast3A_700 = vector.bitcast %add3A_699 : vector<16xf32> to vector<16xi32>
        %shift_right_arithmetic3A_701 = arith.constant 1 : i32
        %shift_right_arithmetic3A_702 = vector.broadcast %shift_right_arithmetic3A_701 : i32 to vector<16xi32>
        %shift_right_arithmetic3A_703 = arith.shrsi %bitcast3A_700, %shift_right_arithmetic3A_702 : vector<16xi32>
        %sub3A_704 = arith.constant 1597463007 : i32
        %sub3A_705 = vector.broadcast %sub3A_704 : i32 to vector<16xi32>
        %sub3A_706 = arith.subi %sub3A_705, %shift_right_arithmetic3A_703 : vector<16xi32>
        %bitcast3A_707 = vector.bitcast %sub3A_706 : vector<16xi32> to vector<16xf32>
        %mul3A_708 = arith.constant 5.000000e-01 : f32
        %mul3A_709 = vector.broadcast %mul3A_708 : f32 to vector<16xf32>
        %mul3A_710 = arith.mulf %add3A_699, %mul3A_709 : vector<16xf32>
        %mul3A_711 = arith.mulf %mul3A_710, %bitcast3A_707 : vector<16xf32>
        %mul3A_712 = arith.mulf %mul3A_711, %bitcast3A_707 : vector<16xf32>
        %sub3A_713 = arith.constant 1.500000e+00 : f32
        %sub3A_714 = vector.broadcast %sub3A_713 : f32 to vector<16xf32>
        %sub3A_715 = arith.subf %sub3A_714, %mul3A_712 : vector<16xf32>
        %mul3A_716 = arith.mulf %bitcast3A_707, %sub3A_715 : vector<16xf32>
        %mul3A_717 = arith.mulf %mul3A_710, %mul3A_716 : vector<16xf32>
        %mul3A_718 = arith.mulf %mul3A_717, %mul3A_716 : vector<16xf32>
        %sub3A_719 = arith.constant 1.500000e+00 : f32
        %sub3A_720 = vector.broadcast %sub3A_719 : f32 to vector<16xf32>
        %sub3A_721 = arith.subf %sub3A_720, %mul3A_718 : vector<16xf32>
        %mul3A_722 = arith.mulf %mul3A_716, %sub3A_721 : vector<16xf32>
        %mul3A_723 = arith.mulf %mul3A_710, %mul3A_722 : vector<16xf32>
        %mul3A_724 = arith.mulf %mul3A_723, %mul3A_722 : vector<16xf32>
        %sub3A_725 = arith.constant 1.500000e+00 : f32
        %sub3A_726 = vector.broadcast %sub3A_725 : f32 to vector<16xf32>
        %sub3A_727 = arith.subf %sub3A_726, %mul3A_724 : vector<16xf32>
        %mul3A_728 = arith.mulf %mul3A_722, %sub3A_727 : vector<16xf32>
        %mul3A_729 = arith.mulf %add3A_699, %mul3A_728 : vector<16xf32>
        %add3A_730 = vector.broadcast %scan3A : f32 to vector<16xf32>
        %add3A_731 = arith.addf %mul3A_729, %add3A_730 : vector<16xf32>
        %mul3A_732 = arith.mulf %sub3A_655, %sub3A_655 : vector<16xf32>
        %mul3A_733 = arith.mulf %sub3A_656, %sub3A_656 : vector<16xf32>
        %add3A_734 = arith.addf %mul3A_732, %mul3A_733 : vector<16xf32>
        %mul3A_735 = arith.mulf %sub3A_657, %sub3A_657 : vector<16xf32>
        %add3A_736 = arith.addf %add3A_734, %mul3A_735 : vector<16xf32>
        %bitcast3A_737 = vector.bitcast %add3A_736 : vector<16xf32> to vector<16xi32>
        %shift_right_arithmetic3A_738 = arith.constant 1 : i32
        %shift_right_arithmetic3A_739 = vector.broadcast %shift_right_arithmetic3A_738 : i32 to vector<16xi32>
        %shift_right_arithmetic3A_740 = arith.shrsi %bitcast3A_737, %shift_right_arithmetic3A_739 : vector<16xi32>
        %sub3A_741 = arith.constant 1597463007 : i32
        %sub3A_742 = vector.broadcast %sub3A_741 : i32 to vector<16xi32>
        %sub3A_743 = arith.subi %sub3A_742, %shift_right_arithmetic3A_740 : vector<16xi32>
        %bitcast3A_744 = vector.bitcast %sub3A_743 : vector<16xi32> to vector<16xf32>
        %mul3A_745 = arith.constant 5.000000e-01 : f32
        %mul3A_746 = vector.broadcast %mul3A_745 : f32 to vector<16xf32>
        %mul3A_747 = arith.mulf %add3A_736, %mul3A_746 : vector<16xf32>
        %mul3A_748 = arith.mulf %mul3A_747, %bitcast3A_744 : vector<16xf32>
        %mul3A_749 = arith.mulf %mul3A_748, %bitcast3A_744 : vector<16xf32>
        %sub3A_750 = arith.constant 1.500000e+00 : f32
        %sub3A_751 = vector.broadcast %sub3A_750 : f32 to vector<16xf32>
        %sub3A_752 = arith.subf %sub3A_751, %mul3A_749 : vector<16xf32>
        %mul3A_753 = arith.mulf %bitcast3A_744, %sub3A_752 : vector<16xf32>
        %mul3A_754 = arith.mulf %mul3A_747, %mul3A_753 : vector<16xf32>
        %mul3A_755 = arith.mulf %mul3A_754, %mul3A_753 : vector<16xf32>
        %sub3A_756 = arith.constant 1.500000e+00 : f32
        %sub3A_757 = vector.broadcast %sub3A_756 : f32 to vector<16xf32>
        %sub3A_758 = arith.subf %sub3A_757, %mul3A_755 : vector<16xf32>
        %mul3A_759 = arith.mulf %mul3A_753, %sub3A_758 : vector<16xf32>
        %mul3A_760 = arith.mulf %mul3A_747, %mul3A_759 : vector<16xf32>
        %mul3A_761 = arith.mulf %mul3A_760, %mul3A_759 : vector<16xf32>
        %sub3A_762 = arith.constant 1.500000e+00 : f32
        %sub3A_763 = vector.broadcast %sub3A_762 : f32 to vector<16xf32>
        %sub3A_764 = arith.subf %sub3A_763, %mul3A_761 : vector<16xf32>
        %mul3A_765 = arith.mulf %mul3A_759, %sub3A_764 : vector<16xf32>
        %mul3A_766 = arith.mulf %add3A_736, %mul3A_765 : vector<16xf32>
        %add3A_767 = vector.broadcast %scan3A : f32 to vector<16xf32>
        %add3A_768 = arith.addf %mul3A_766, %add3A_767 : vector<16xf32>
        %swap3A_769 = arith.index_cast %scan3A_50 : i32 to index
        %swap3A_770 = arith.constant 64 : index
        %swap3A_771 = tpu.vector_load %arg11[%swap3A_769, %swap3A_770] {strides = array<i32>} : memref<64x128xf32, #tpu.memory_space<vmem>>, vector<16xf32>,
        tpu.vector_store %arg11[%swap3A_769, %swap3A_770], %add3A_694 {strides = array<i32>} : memref<64x128xf32, #tpu.memory_space<vmem>>, vector<16xf32>,
        %swap3A_772 = arith.index_cast %scan3A_50 : i32 to index
        %swap3A_773 = arith.constant 64 : index
        %swap3A_774 = tpu.vector_load %arg12[%swap3A_772, %swap3A_773] {strides = array<i32>} : memref<64x128xf32, #tpu.memory_space<vmem>>, vector<16xf32>,
        tpu.vector_store %arg12[%swap3A_772, %swap3A_773], %add3A_731 {strides = array<i32>} : memref<64x128xf32, #tpu.memory_space<vmem>>, vector<16xf32>,
        %swap3A_775 = arith.index_cast %scan3A_50 : i32 to index
        %swap3A_776 = arith.constant 64 : index
        %swap3A_777 = tpu.vector_load %arg13[%swap3A_775, %swap3A_776] {strides = array<i32>} : memref<64x128xf32, #tpu.memory_space<vmem>>, vector<16xf32>,
        tpu.vector_store %arg13[%swap3A_775, %swap3A_776], %add3A_768 {strides = array<i32>} : memref<64x128xf32, #tpu.memory_space<vmem>>, vector<16xf32>,
        %get3A_778 = arith.index_cast %scan3A_50 : i32 to index
        %get3A_779 = arith.constant 80 : index
        %get3A_780 = tpu.vector_load %arg9[%get3A_778, %get3A_779] {strides = array<i32>} : memref<64x128xi32, #tpu.memory_space<vmem>>, vector<16xi32>,
        %get3A_781 = arith.index_cast %scan3A_50 : i32 to index
        %get3A_782 = arith.constant 80 : index
        %get3A_783 = tpu.vector_load %arg10[%get3A_781, %get3A_782] {strides = array<i32>} : memref<64x128xi32, #tpu.memory_space<vmem>>, vector<16xi32>,
        %gather3A_784 = tpu.vector_load_idx %arg8[%get3A_780] : memref<12288xf32, #tpu.memory_space<vmem>>[vector<16xi32>], vector<16xf32>,
        %add3A_785 = arith.addi %get3A_780, %broadcast_in_dim3A_33 : vector<16xi32>
        %gather3A_786 = tpu.vector_load_idx %arg8[%add3A_785] : memref<12288xf32, #tpu.memory_space<vmem>>[vector<16xi32>], vector<16xf32>,
        %add3A_787 = arith.addi %get3A_780, %broadcast_in_dim3A_35 : vector<16xi32>
        %gather3A_788 = tpu.vector_load_idx %arg8[%add3A_787] : memref<12288xf32, #tpu.memory_space<vmem>>[vector<16xi32>], vector<16xf32>,
        %gather3A_789 = tpu.vector_load_idx %arg8[%get3A_783] : memref<12288xf32, #tpu.memory_space<vmem>>[vector<16xi32>], vector<16xf32>,
        %add3A_790 = arith.addi %get3A_783, %broadcast_in_dim3A_33 : vector<16xi32>
        %gather3A_791 = tpu.vector_load_idx %arg8[%add3A_790] : memref<12288xf32, #tpu.memory_space<vmem>>[vector<16xi32>], vector<16xf32>,
        %add3A_792 = arith.addi %get3A_783, %broadcast_in_dim3A_35 : vector<16xi32>
        %gather3A_793 = tpu.vector_load_idx %arg8[%add3A_792] : memref<12288xf32, #tpu.memory_space<vmem>>[vector<16xi32>], vector<16xf32>,
        %sub3A_794 = arith.subf %gather3A_784, %gather3A : vector<16xf32>
        %sub3A_795 = arith.subf %gather3A_786, %gather3A_54 : vector<16xf32>
        %sub3A_796 = arith.subf %gather3A_788, %gather3A_56 : vector<16xf32>
        %sub3A_797 = arith.subf %gather3A_789, %gather3A : vector<16xf32>
        %sub3A_798 = arith.subf %gather3A_791, %gather3A_54 : vector<16xf32>
        %sub3A_799 = arith.subf %gather3A_793, %gather3A_56 : vector<16xf32>
        %sub3A_800 = arith.subf %gather3A_784, %gather3A_789 : vector<16xf32>
        %sub3A_801 = arith.subf %gather3A_786, %gather3A_791 : vector<16xf32>
        %sub3A_802 = arith.subf %gather3A_788, %gather3A_793 : vector<16xf32>
        %mul3A_803 = arith.mulf %sub3A_794, %sub3A_794 : vector<16xf32>
        %mul3A_804 = arith.mulf %sub3A_795, %sub3A_795 : vector<16xf32>
        %add3A_805 = arith.addf %mul3A_803, %mul3A_804 : vector<16xf32>
        %mul3A_806 = arith.mulf %sub3A_796, %sub3A_796 : vector<16xf32>
        %add3A_807 = arith.addf %add3A_805, %mul3A_806 : vector<16xf32>
        %bitcast3A_808 = vector.bitcast %add3A_807 : vector<16xf32> to vector<16xi32>
        %shift_right_arithmetic3A_809 = arith.constant 1 : i32
        %shift_right_arithmetic3A_810 = vector.broadcast %shift_right_arithmetic3A_809 : i32 to vector<16xi32>
        %shift_right_arithmetic3A_811 = arith.shrsi %bitcast3A_808, %shift_right_arithmetic3A_810 : vector<16xi32>
        %sub3A_812 = arith.constant 1597463007 : i32
        %sub3A_813 = vector.broadcast %sub3A_812 : i32 to vector<16xi32>
        %sub3A_814 = arith.subi %sub3A_813, %shift_right_arithmetic3A_811 : vector<16xi32>
        %bitcast3A_815 = vector.bitcast %sub3A_814 : vector<16xi32> to vector<16xf32>
        %mul3A_816 = arith.constant 5.000000e-01 : f32
        %mul3A_817 = vector.broadcast %mul3A_816 : f32 to vector<16xf32>
        %mul3A_818 = arith.mulf %add3A_807, %mul3A_817 : vector<16xf32>
        %mul3A_819 = arith.mulf %mul3A_818, %bitcast3A_815 : vector<16xf32>
        %mul3A_820 = arith.mulf %mul3A_819, %bitcast3A_815 : vector<16xf32>
        %sub3A_821 = arith.constant 1.500000e+00 : f32
        %sub3A_822 = vector.broadcast %sub3A_821 : f32 to vector<16xf32>
        %sub3A_823 = arith.subf %sub3A_822, %mul3A_820 : vector<16xf32>
        %mul3A_824 = arith.mulf %bitcast3A_815, %sub3A_823 : vector<16xf32>
        %mul3A_825 = arith.mulf %mul3A_818, %mul3A_824 : vector<16xf32>
        %mul3A_826 = arith.mulf %mul3A_825, %mul3A_824 : vector<16xf32>
        %sub3A_827 = arith.constant 1.500000e+00 : f32
        %sub3A_828 = vector.broadcast %sub3A_827 : f32 to vector<16xf32>
        %sub3A_829 = arith.subf %sub3A_828, %mul3A_826 : vector<16xf32>
        %mul3A_830 = arith.mulf %mul3A_824, %sub3A_829 : vector<16xf32>
        %mul3A_831 = arith.mulf %mul3A_818, %mul3A_830 : vector<16xf32>
        %mul3A_832 = arith.mulf %mul3A_831, %mul3A_830 : vector<16xf32>
        %sub3A_833 = arith.constant 1.500000e+00 : f32
        %sub3A_834 = vector.broadcast %sub3A_833 : f32 to vector<16xf32>
        %sub3A_835 = arith.subf %sub3A_834, %mul3A_832 : vector<16xf32>
        %mul3A_836 = arith.mulf %mul3A_830, %sub3A_835 : vector<16xf32>
        %mul3A_837 = arith.mulf %add3A_807, %mul3A_836 : vector<16xf32>
        %add3A_838 = vector.broadcast %scan3A : f32 to vector<16xf32>
        %add3A_839 = arith.addf %mul3A_837, %add3A_838 : vector<16xf32>
        %mul3A_840 = arith.mulf %sub3A_797, %sub3A_797 : vector<16xf32>
        %mul3A_841 = arith.mulf %sub3A_798, %sub3A_798 : vector<16xf32>
        %add3A_842 = arith.addf %mul3A_840, %mul3A_841 : vector<16xf32>
        %mul3A_843 = arith.mulf %sub3A_799, %sub3A_799 : vector<16xf32>
        %add3A_844 = arith.addf %add3A_842, %mul3A_843 : vector<16xf32>
        %bitcast3A_845 = vector.bitcast %add3A_844 : vector<16xf32> to vector<16xi32>
        %shift_right_arithmetic3A_846 = arith.constant 1 : i32
        %shift_right_arithmetic3A_847 = vector.broadcast %shift_right_arithmetic3A_846 : i32 to vector<16xi32>
        %shift_right_arithmetic3A_848 = arith.shrsi %bitcast3A_845, %shift_right_arithmetic3A_847 : vector<16xi32>
        %sub3A_849 = arith.constant 1597463007 : i32
        %sub3A_850 = vector.broadcast %sub3A_849 : i32 to vector<16xi32>
        %sub3A_851 = arith.subi %sub3A_850, %shift_right_arithmetic3A_848 : vector<16xi32>
        %bitcast3A_852 = vector.bitcast %sub3A_851 : vector<16xi32> to vector<16xf32>
        %mul3A_853 = arith.constant 5.000000e-01 : f32
        %mul3A_854 = vector.broadcast %mul3A_853 : f32 to vector<16xf32>
        %mul3A_855 = arith.mulf %add3A_844, %mul3A_854 : vector<16xf32>
        %mul3A_856 = arith.mulf %mul3A_855, %bitcast3A_852 : vector<16xf32>
        %mul3A_857 = arith.mulf %mul3A_856, %bitcast3A_852 : vector<16xf32>
        %sub3A_858 = arith.constant 1.500000e+00 : f32
        %sub3A_859 = vector.broadcast %sub3A_858 : f32 to vector<16xf32>
        %sub3A_860 = arith.subf %sub3A_859, %mul3A_857 : vector<16xf32>
        %mul3A_861 = arith.mulf %bitcast3A_852, %sub3A_860 : vector<16xf32>
        %mul3A_862 = arith.mulf %mul3A_855, %mul3A_861 : vector<16xf32>
        %mul3A_863 = arith.mulf %mul3A_862, %mul3A_861 : vector<16xf32>
        %sub3A_864 = arith.constant 1.500000e+00 : f32
        %sub3A_865 = vector.broadcast %sub3A_864 : f32 to vector<16xf32>
        %sub3A_866 = arith.subf %sub3A_865, %mul3A_863 : vector<16xf32>
        %mul3A_867 = arith.mulf %mul3A_861, %sub3A_866 : vector<16xf32>
        %mul3A_868 = arith.mulf %mul3A_855, %mul3A_867 : vector<16xf32>
        %mul3A_869 = arith.mulf %mul3A_868, %mul3A_867 : vector<16xf32>
        %sub3A_870 = arith.constant 1.500000e+00 : f32
        %sub3A_871 = vector.broadcast %sub3A_870 : f32 to vector<16xf32>
        %sub3A_872 = arith.subf %sub3A_871, %mul3A_869 : vector<16xf32>
        %mul3A_873 = arith.mulf %mul3A_867, %sub3A_872 : vector<16xf32>
        %mul3A_874 = arith.mulf %add3A_844, %mul3A_873 : vector<16xf32>
        %add3A_875 = vector.broadcast %scan3A : f32 to vector<16xf32>
        %add3A_876 = arith.addf %mul3A_874, %add3A_875 : vector<16xf32>
        %mul3A_877 = arith.mulf %sub3A_800, %sub3A_800 : vector<16xf32>
        %mul3A_878 = arith.mulf %sub3A_801, %sub3A_801 : vector<16xf32>
        %add3A_879 = arith.addf %mul3A_877, %mul3A_878 : vector<16xf32>
        %mul3A_880 = arith.mulf %sub3A_802, %sub3A_802 : vector<16xf32>
        %add3A_881 = arith.addf %add3A_879, %mul3A_880 : vector<16xf32>
        %bitcast3A_882 = vector.bitcast %add3A_881 : vector<16xf32> to vector<16xi32>
        %shift_right_arithmetic3A_883 = arith.constant 1 : i32
        %shift_right_arithmetic3A_884 = vector.broadcast %shift_right_arithmetic3A_883 : i32 to vector<16xi32>
        %shift_right_arithmetic3A_885 = arith.shrsi %bitcast3A_882, %shift_right_arithmetic3A_884 : vector<16xi32>
        %sub3A_886 = arith.constant 1597463007 : i32
        %sub3A_887 = vector.broadcast %sub3A_886 : i32 to vector<16xi32>
        %sub3A_888 = arith.subi %sub3A_887, %shift_right_arithmetic3A_885 : vector<16xi32>
        %bitcast3A_889 = vector.bitcast %sub3A_888 : vector<16xi32> to vector<16xf32>
        %mul3A_890 = arith.constant 5.000000e-01 : f32
        %mul3A_891 = vector.broadcast %mul3A_890 : f32 to vector<16xf32>
        %mul3A_892 = arith.mulf %add3A_881, %mul3A_891 : vector<16xf32>
        %mul3A_893 = arith.mulf %mul3A_892, %bitcast3A_889 : vector<16xf32>
        %mul3A_894 = arith.mulf %mul3A_893, %bitcast3A_889 : vector<16xf32>
        %sub3A_895 = arith.constant 1.500000e+00 : f32
        %sub3A_896 = vector.broadcast %sub3A_895 : f32 to vector<16xf32>
        %sub3A_897 = arith.subf %sub3A_896, %mul3A_894 : vector<16xf32>
        %mul3A_898 = arith.mulf %bitcast3A_889, %sub3A_897 : vector<16xf32>
        %mul3A_899 = arith.mulf %mul3A_892, %mul3A_898 : vector<16xf32>
        %mul3A_900 = arith.mulf %mul3A_899, %mul3A_898 : vector<16xf32>
        %sub3A_901 = arith.constant 1.500000e+00 : f32
        %sub3A_902 = vector.broadcast %sub3A_901 : f32 to vector<16xf32>
        %sub3A_903 = arith.subf %sub3A_902, %mul3A_900 : vector<16xf32>
        %mul3A_904 = arith.mulf %mul3A_898, %sub3A_903 : vector<16xf32>
        %mul3A_905 = arith.mulf %mul3A_892, %mul3A_904 : vector<16xf32>
        %mul3A_906 = arith.mulf %mul3A_905, %mul3A_904 : vector<16xf32>
        %sub3A_907 = arith.constant 1.500000e+00 : f32
        %sub3A_908 = vector.broadcast %sub3A_907 : f32 to vector<16xf32>
        %sub3A_909 = arith.subf %sub3A_908, %mul3A_906 : vector<16xf32>
        %mul3A_910 = arith.mulf %mul3A_904, %sub3A_909 : vector<16xf32>
        %mul3A_911 = arith.mulf %add3A_881, %mul3A_910 : vector<16xf32>
        %add3A_912 = vector.broadcast %scan3A : f32 to vector<16xf32>
        %add3A_913 = arith.addf %mul3A_911, %add3A_912 : vector<16xf32>
        %swap3A_914 = arith.index_cast %scan3A_50 : i32 to index
        %swap3A_915 = arith.constant 80 : index
        %swap3A_916 = tpu.vector_load %arg11[%swap3A_914, %swap3A_915] {strides = array<i32>} : memref<64x128xf32, #tpu.memory_space<vmem>>, vector<16xf32>,
        tpu.vector_store %arg11[%swap3A_914, %swap3A_915], %add3A_839 {strides = array<i32>} : memref<64x128xf32, #tpu.memory_space<vmem>>, vector<16xf32>,
        %swap3A_917 = arith.index_cast %scan3A_50 : i32 to index
        %swap3A_918 = arith.constant 80 : index
        %swap3A_919 = tpu.vector_load %arg12[%swap3A_917, %swap3A_918] {strides = array<i32>} : memref<64x128xf32, #tpu.memory_space<vmem>>, vector<16xf32>,
        tpu.vector_store %arg12[%swap3A_917, %swap3A_918], %add3A_876 {strides = array<i32>} : memref<64x128xf32, #tpu.memory_space<vmem>>, vector<16xf32>,
        %swap3A_920 = arith.index_cast %scan3A_50 : i32 to index
        %swap3A_921 = arith.constant 80 : index
        %swap3A_922 = tpu.vector_load %arg13[%swap3A_920, %swap3A_921] {strides = array<i32>} : memref<64x128xf32, #tpu.memory_space<vmem>>, vector<16xf32>,
        tpu.vector_store %arg13[%swap3A_920, %swap3A_921], %add3A_913 {strides = array<i32>} : memref<64x128xf32, #tpu.memory_space<vmem>>, vector<16xf32>,
        %get3A_923 = arith.index_cast %scan3A_50 : i32 to index
        %get3A_924 = arith.constant 96 : index
        %get3A_925 = tpu.vector_load %arg9[%get3A_923, %get3A_924] {strides = array<i32>} : memref<64x128xi32, #tpu.memory_space<vmem>>, vector<16xi32>,
        %get3A_926 = arith.index_cast %scan3A_50 : i32 to index
        %get3A_927 = arith.constant 96 : index
        %get3A_928 = tpu.vector_load %arg10[%get3A_926, %get3A_927] {strides = array<i32>} : memref<64x128xi32, #tpu.memory_space<vmem>>, vector<16xi32>,
        %gather3A_929 = tpu.vector_load_idx %arg8[%get3A_925] : memref<12288xf32, #tpu.memory_space<vmem>>[vector<16xi32>], vector<16xf32>,
        %add3A_930 = arith.addi %get3A_925, %broadcast_in_dim3A_33 : vector<16xi32>
        %gather3A_931 = tpu.vector_load_idx %arg8[%add3A_930] : memref<12288xf32, #tpu.memory_space<vmem>>[vector<16xi32>], vector<16xf32>,
        %add3A_932 = arith.addi %get3A_925, %broadcast_in_dim3A_35 : vector<16xi32>
        %gather3A_933 = tpu.vector_load_idx %arg8[%add3A_932] : memref<12288xf32, #tpu.memory_space<vmem>>[vector<16xi32>], vector<16xf32>,
        %gather3A_934 = tpu.vector_load_idx %arg8[%get3A_928] : memref<12288xf32, #tpu.memory_space<vmem>>[vector<16xi32>], vector<16xf32>,
        %add3A_935 = arith.addi %get3A_928, %broadcast_in_dim3A_33 : vector<16xi32>
        %gather3A_936 = tpu.vector_load_idx %arg8[%add3A_935] : memref<12288xf32, #tpu.memory_space<vmem>>[vector<16xi32>], vector<16xf32>,
        %add3A_937 = arith.addi %get3A_928, %broadcast_in_dim3A_35 : vector<16xi32>
        %gather3A_938 = tpu.vector_load_idx %arg8[%add3A_937] : memref<12288xf32, #tpu.memory_space<vmem>>[vector<16xi32>], vector<16xf32>,
        %sub3A_939 = arith.subf %gather3A_929, %gather3A : vector<16xf32>
        %sub3A_940 = arith.subf %gather3A_931, %gather3A_54 : vector<16xf32>
        %sub3A_941 = arith.subf %gather3A_933, %gather3A_56 : vector<16xf32>
        %sub3A_942 = arith.subf %gather3A_934, %gather3A : vector<16xf32>
        %sub3A_943 = arith.subf %gather3A_936, %gather3A_54 : vector<16xf32>
        %sub3A_944 = arith.subf %gather3A_938, %gather3A_56 : vector<16xf32>
        %sub3A_945 = arith.subf %gather3A_929, %gather3A_934 : vector<16xf32>
        %sub3A_946 = arith.subf %gather3A_931, %gather3A_936 : vector<16xf32>
        %sub3A_947 = arith.subf %gather3A_933, %gather3A_938 : vector<16xf32>
        %mul3A_948 = arith.mulf %sub3A_939, %sub3A_939 : vector<16xf32>
        %mul3A_949 = arith.mulf %sub3A_940, %sub3A_940 : vector<16xf32>
        %add3A_950 = arith.addf %mul3A_948, %mul3A_949 : vector<16xf32>
        %mul3A_951 = arith.mulf %sub3A_941, %sub3A_941 : vector<16xf32>
        %add3A_952 = arith.addf %add3A_950, %mul3A_951 : vector<16xf32>
        %bitcast3A_953 = vector.bitcast %add3A_952 : vector<16xf32> to vector<16xi32>
        %shift_right_arithmetic3A_954 = arith.constant 1 : i32
        %shift_right_arithmetic3A_955 = vector.broadcast %shift_right_arithmetic3A_954 : i32 to vector<16xi32>
        %shift_right_arithmetic3A_956 = arith.shrsi %bitcast3A_953, %shift_right_arithmetic3A_955 : vector<16xi32>
        %sub3A_957 = arith.constant 1597463007 : i32
        %sub3A_958 = vector.broadcast %sub3A_957 : i32 to vector<16xi32>
        %sub3A_959 = arith.subi %sub3A_958, %shift_right_arithmetic3A_956 : vector<16xi32>
        %bitcast3A_960 = vector.bitcast %sub3A_959 : vector<16xi32> to vector<16xf32>
        %mul3A_961 = arith.constant 5.000000e-01 : f32
        %mul3A_962 = vector.broadcast %mul3A_961 : f32 to vector<16xf32>
        %mul3A_963 = arith.mulf %add3A_952, %mul3A_962 : vector<16xf32>
        %mul3A_964 = arith.mulf %mul3A_963, %bitcast3A_960 : vector<16xf32>
        %mul3A_965 = arith.mulf %mul3A_964, %bitcast3A_960 : vector<16xf32>
        %sub3A_966 = arith.constant 1.500000e+00 : f32
        %sub3A_967 = vector.broadcast %sub3A_966 : f32 to vector<16xf32>
        %sub3A_968 = arith.subf %sub3A_967, %mul3A_965 : vector<16xf32>
        %mul3A_969 = arith.mulf %bitcast3A_960, %sub3A_968 : vector<16xf32>
        %mul3A_970 = arith.mulf %mul3A_963, %mul3A_969 : vector<16xf32>
        %mul3A_971 = arith.mulf %mul3A_970, %mul3A_969 : vector<16xf32>
        %sub3A_972 = arith.constant 1.500000e+00 : f32
        %sub3A_973 = vector.broadcast %sub3A_972 : f32 to vector<16xf32>
        %sub3A_974 = arith.subf %sub3A_973, %mul3A_971 : vector<16xf32>
        %mul3A_975 = arith.mulf %mul3A_969, %sub3A_974 : vector<16xf32>
        %mul3A_976 = arith.mulf %mul3A_963, %mul3A_975 : vector<16xf32>
        %mul3A_977 = arith.mulf %mul3A_976, %mul3A_975 : vector<16xf32>
        %sub3A_978 = arith.constant 1.500000e+00 : f32
        %sub3A_979 = vector.broadcast %sub3A_978 : f32 to vector<16xf32>
        %sub3A_980 = arith.subf %sub3A_979, %mul3A_977 : vector<16xf32>
        %mul3A_981 = arith.mulf %mul3A_975, %sub3A_980 : vector<16xf32>
        %mul3A_982 = arith.mulf %add3A_952, %mul3A_981 : vector<16xf32>
        %add3A_983 = vector.broadcast %scan3A : f32 to vector<16xf32>
        %add3A_984 = arith.addf %mul3A_982, %add3A_983 : vector<16xf32>
        %mul3A_985 = arith.mulf %sub3A_942, %sub3A_942 : vector<16xf32>
        %mul3A_986 = arith.mulf %sub3A_943, %sub3A_943 : vector<16xf32>
        %add3A_987 = arith.addf %mul3A_985, %mul3A_986 : vector<16xf32>
        %mul3A_988 = arith.mulf %sub3A_944, %sub3A_944 : vector<16xf32>
        %add3A_989 = arith.addf %add3A_987, %mul3A_988 : vector<16xf32>
        %bitcast3A_990 = vector.bitcast %add3A_989 : vector<16xf32> to vector<16xi32>
        %shift_right_arithmetic3A_991 = arith.constant 1 : i32
        %shift_right_arithmetic3A_992 = vector.broadcast %shift_right_arithmetic3A_991 : i32 to vector<16xi32>
        %shift_right_arithmetic3A_993 = arith.shrsi %bitcast3A_990, %shift_right_arithmetic3A_992 : vector<16xi32>
        %sub3A_994 = arith.constant 1597463007 : i32
        %sub3A_995 = vector.broadcast %sub3A_994 : i32 to vector<16xi32>
        %sub3A_996 = arith.subi %sub3A_995, %shift_right_arithmetic3A_993 : vector<16xi32>
        %bitcast3A_997 = vector.bitcast %sub3A_996 : vector<16xi32> to vector<16xf32>
        %mul3A_998 = arith.constant 5.000000e-01 : f32
        %mul3A_999 = vector.broadcast %mul3A_998 : f32 to vector<16xf32>
        %mul3A_1000 = arith.mulf %add3A_989, %mul3A_999 : vector<16xf32>
        %mul3A_1001 = arith.mulf %mul3A_1000, %bitcast3A_997 : vector<16xf32>
        %mul3A_1002 = arith.mulf %mul3A_1001, %bitcast3A_997 : vector<16xf32>
        %sub3A_1003 = arith.constant 1.500000e+00 : f32
        %sub3A_1004 = vector.broadcast %sub3A_1003 : f32 to vector<16xf32>
        %sub3A_1005 = arith.subf %sub3A_1004, %mul3A_1002 : vector<16xf32>
        %mul3A_1006 = arith.mulf %bitcast3A_997, %sub3A_1005 : vector<16xf32>
        %mul3A_1007 = arith.mulf %mul3A_1000, %mul3A_1006 : vector<16xf32>
        %mul3A_1008 = arith.mulf %mul3A_1007, %mul3A_1006 : vector<16xf32>
        %sub3A_1009 = arith.constant 1.500000e+00 : f32
        %sub3A_1010 = vector.broadcast %sub3A_1009 : f32 to vector<16xf32>
        %sub3A_1011 = arith.subf %sub3A_1010, %mul3A_1008 : vector<16xf32>
        %mul3A_1012 = arith.mulf %mul3A_1006, %sub3A_1011 : vector<16xf32>
        %mul3A_1013 = arith.mulf %mul3A_1000, %mul3A_1012 : vector<16xf32>
        %mul3A_1014 = arith.mulf %mul3A_1013, %mul3A_1012 : vector<16xf32>
        %sub3A_1015 = arith.constant 1.500000e+00 : f32
        %sub3A_1016 = vector.broadcast %sub3A_1015 : f32 to vector<16xf32>
        %sub3A_1017 = arith.subf %sub3A_1016, %mul3A_1014 : vector<16xf32>
        %mul3A_1018 = arith.mulf %mul3A_1012, %sub3A_1017 : vector<16xf32>
        %mul3A_1019 = arith.mulf %add3A_989, %mul3A_1018 : vector<16xf32>
        %add3A_1020 = vector.broadcast %scan3A : f32 to vector<16xf32>
        %add3A_1021 = arith.addf %mul3A_1019, %add3A_1020 : vector<16xf32>
        %mul3A_1022 = arith.mulf %sub3A_945, %sub3A_945 : vector<16xf32>
        %mul3A_1023 = arith.mulf %sub3A_946, %sub3A_946 : vector<16xf32>
        %add3A_1024 = arith.addf %mul3A_1022, %mul3A_1023 : vector<16xf32>
        %mul3A_1025 = arith.mulf %sub3A_947, %sub3A_947 : vector<16xf32>
        %add3A_1026 = arith.addf %add3A_1024, %mul3A_1025 : vector<16xf32>
        %bitcast3A_1027 = vector.bitcast %add3A_1026 : vector<16xf32> to vector<16xi32>
        %shift_right_arithmetic3A_1028 = arith.constant 1 : i32
        %shift_right_arithmetic3A_1029 = vector.broadcast %shift_right_arithmetic3A_1028 : i32 to vector<16xi32>
        %shift_right_arithmetic3A_1030 = arith.shrsi %bitcast3A_1027, %shift_right_arithmetic3A_1029 : vector<16xi32>
        %sub3A_1031 = arith.constant 1597463007 : i32
        %sub3A_1032 = vector.broadcast %sub3A_1031 : i32 to vector<16xi32>
        %sub3A_1033 = arith.subi %sub3A_1032, %shift_right_arithmetic3A_1030 : vector<16xi32>
        %bitcast3A_1034 = vector.bitcast %sub3A_1033 : vector<16xi32> to vector<16xf32>
        %mul3A_1035 = arith.constant 5.000000e-01 : f32
        %mul3A_1036 = vector.broadcast %mul3A_1035 : f32 to vector<16xf32>
        %mul3A_1037 = arith.mulf %add3A_1026, %mul3A_1036 : vector<16xf32>
        %mul3A_1038 = arith.mulf %mul3A_1037, %bitcast3A_1034 : vector<16xf32>
        %mul3A_1039 = arith.mulf %mul3A_1038, %bitcast3A_1034 : vector<16xf32>
        %sub3A_1040 = arith.constant 1.500000e+00 : f32
        %sub3A_1041 = vector.broadcast %sub3A_1040 : f32 to vector<16xf32>
        %sub3A_1042 = arith.subf %sub3A_1041, %mul3A_1039 : vector<16xf32>
        %mul3A_1043 = arith.mulf %bitcast3A_1034, %sub3A_1042 : vector<16xf32>
        %mul3A_1044 = arith.mulf %mul3A_1037, %mul3A_1043 : vector<16xf32>
        %mul3A_1045 = arith.mulf %mul3A_1044, %mul3A_1043 : vector<16xf32>
        %sub3A_1046 = arith.constant 1.500000e+00 : f32
        %sub3A_1047 = vector.broadcast %sub3A_1046 : f32 to vector<16xf32>
        %sub3A_1048 = arith.subf %sub3A_1047, %mul3A_1045 : vector<16xf32>
        %mul3A_1049 = arith.mulf %mul3A_1043, %sub3A_1048 : vector<16xf32>
        %mul3A_1050 = arith.mulf %mul3A_1037, %mul3A_1049 : vector<16xf32>
        %mul3A_1051 = arith.mulf %mul3A_1050, %mul3A_1049 : vector<16xf32>
        %sub3A_1052 = arith.constant 1.500000e+00 : f32
        %sub3A_1053 = vector.broadcast %sub3A_1052 : f32 to vector<16xf32>
        %sub3A_1054 = arith.subf %sub3A_1053, %mul3A_1051 : vector<16xf32>
        %mul3A_1055 = arith.mulf %mul3A_1049, %sub3A_1054 : vector<16xf32>
        %mul3A_1056 = arith.mulf %add3A_1026, %mul3A_1055 : vector<16xf32>
        %add3A_1057 = vector.broadcast %scan3A : f32 to vector<16xf32>
        %add3A_1058 = arith.addf %mul3A_1056, %add3A_1057 : vector<16xf32>
        %swap3A_1059 = arith.index_cast %scan3A_50 : i32 to index
        %swap3A_1060 = arith.constant 96 : index
        %swap3A_1061 = tpu.vector_load %arg11[%swap3A_1059, %swap3A_1060] {strides = array<i32>} : memref<64x128xf32, #tpu.memory_space<vmem>>, vector<16xf32>,
        tpu.vector_store %arg11[%swap3A_1059, %swap3A_1060], %add3A_984 {strides = array<i32>} : memref<64x128xf32, #tpu.memory_space<vmem>>, vector<16xf32>,
        %swap3A_1062 = arith.index_cast %scan3A_50 : i32 to index
        %swap3A_1063 = arith.constant 96 : index
        %swap3A_1064 = tpu.vector_load %arg12[%swap3A_1062, %swap3A_1063] {strides = array<i32>} : memref<64x128xf32, #tpu.memory_space<vmem>>, vector<16xf32>,
        tpu.vector_store %arg12[%swap3A_1062, %swap3A_1063], %add3A_1021 {strides = array<i32>} : memref<64x128xf32, #tpu.memory_space<vmem>>, vector<16xf32>,
        %swap3A_1065 = arith.index_cast %scan3A_50 : i32 to index
        %swap3A_1066 = arith.constant 96 : index
        %swap3A_1067 = tpu.vector_load %arg13[%swap3A_1065, %swap3A_1066] {strides = array<i32>} : memref<64x128xf32, #tpu.memory_space<vmem>>, vector<16xf32>,
        tpu.vector_store %arg13[%swap3A_1065, %swap3A_1066], %add3A_1058 {strides = array<i32>} : memref<64x128xf32, #tpu.memory_space<vmem>>, vector<16xf32>,
        %get3A_1068 = arith.index_cast %scan3A_50 : i32 to index
        %get3A_1069 = arith.constant 112 : index
        %get3A_1070 = tpu.vector_load %arg9[%get3A_1068, %get3A_1069] {strides = array<i32>} : memref<64x128xi32, #tpu.memory_space<vmem>>, vector<16xi32>,
        %get3A_1071 = arith.index_cast %scan3A_50 : i32 to index
        %get3A_1072 = arith.constant 112 : index
        %get3A_1073 = tpu.vector_load %arg10[%get3A_1071, %get3A_1072] {strides = array<i32>} : memref<64x128xi32, #tpu.memory_space<vmem>>, vector<16xi32>,
        %gather3A_1074 = tpu.vector_load_idx %arg8[%get3A_1070] : memref<12288xf32, #tpu.memory_space<vmem>>[vector<16xi32>], vector<16xf32>,
        %add3A_1075 = arith.addi %get3A_1070, %broadcast_in_dim3A_33 : vector<16xi32>
        %gather3A_1076 = tpu.vector_load_idx %arg8[%add3A_1075] : memref<12288xf32, #tpu.memory_space<vmem>>[vector<16xi32>], vector<16xf32>,
        %add3A_1077 = arith.addi %get3A_1070, %broadcast_in_dim3A_35 : vector<16xi32>
        %gather3A_1078 = tpu.vector_load_idx %arg8[%add3A_1077] : memref<12288xf32, #tpu.memory_space<vmem>>[vector<16xi32>], vector<16xf32>,
        %gather3A_1079 = tpu.vector_load_idx %arg8[%get3A_1073] : memref<12288xf32, #tpu.memory_space<vmem>>[vector<16xi32>], vector<16xf32>,
        %add3A_1080 = arith.addi %get3A_1073, %broadcast_in_dim3A_33 : vector<16xi32>
        %gather3A_1081 = tpu.vector_load_idx %arg8[%add3A_1080] : memref<12288xf32, #tpu.memory_space<vmem>>[vector<16xi32>], vector<16xf32>,
        %add3A_1082 = arith.addi %get3A_1073, %broadcast_in_dim3A_35 : vector<16xi32>
        %gather3A_1083 = tpu.vector_load_idx %arg8[%add3A_1082] : memref<12288xf32, #tpu.memory_space<vmem>>[vector<16xi32>], vector<16xf32>,
        %sub3A_1084 = arith.subf %gather3A_1074, %gather3A : vector<16xf32>
        %sub3A_1085 = arith.subf %gather3A_1076, %gather3A_54 : vector<16xf32>
        %sub3A_1086 = arith.subf %gather3A_1078, %gather3A_56 : vector<16xf32>
        %sub3A_1087 = arith.subf %gather3A_1079, %gather3A : vector<16xf32>
        %sub3A_1088 = arith.subf %gather3A_1081, %gather3A_54 : vector<16xf32>
        %sub3A_1089 = arith.subf %gather3A_1083, %gather3A_56 : vector<16xf32>
        %sub3A_1090 = arith.subf %gather3A_1074, %gather3A_1079 : vector<16xf32>
        %sub3A_1091 = arith.subf %gather3A_1076, %gather3A_1081 : vector<16xf32>
        %sub3A_1092 = arith.subf %gather3A_1078, %gather3A_1083 : vector<16xf32>
        %mul3A_1093 = arith.mulf %sub3A_1084, %sub3A_1084 : vector<16xf32>
        %mul3A_1094 = arith.mulf %sub3A_1085, %sub3A_1085 : vector<16xf32>
        %add3A_1095 = arith.addf %mul3A_1093, %mul3A_1094 : vector<16xf32>
        %mul3A_1096 = arith.mulf %sub3A_1086, %sub3A_1086 : vector<16xf32>
        %add3A_1097 = arith.addf %add3A_1095, %mul3A_1096 : vector<16xf32>
        %bitcast3A_1098 = vector.bitcast %add3A_1097 : vector<16xf32> to vector<16xi32>
        %shift_right_arithmetic3A_1099 = arith.constant 1 : i32
        %shift_right_arithmetic3A_1100 = vector.broadcast %shift_right_arithmetic3A_1099 : i32 to vector<16xi32>
        %shift_right_arithmetic3A_1101 = arith.shrsi %bitcast3A_1098, %shift_right_arithmetic3A_1100 : vector<16xi32>
        %sub3A_1102 = arith.constant 1597463007 : i32
        %sub3A_1103 = vector.broadcast %sub3A_1102 : i32 to vector<16xi32>
        %sub3A_1104 = arith.subi %sub3A_1103, %shift_right_arithmetic3A_1101 : vector<16xi32>
        %bitcast3A_1105 = vector.bitcast %sub3A_1104 : vector<16xi32> to vector<16xf32>
        %mul3A_1106 = arith.constant 5.000000e-01 : f32
        %mul3A_1107 = vector.broadcast %mul3A_1106 : f32 to vector<16xf32>
        %mul3A_1108 = arith.mulf %add3A_1097, %mul3A_1107 : vector<16xf32>
        %mul3A_1109 = arith.mulf %mul3A_1108, %bitcast3A_1105 : vector<16xf32>
        %mul3A_1110 = arith.mulf %mul3A_1109, %bitcast3A_1105 : vector<16xf32>
        %sub3A_1111 = arith.constant 1.500000e+00 : f32
        %sub3A_1112 = vector.broadcast %sub3A_1111 : f32 to vector<16xf32>
        %sub3A_1113 = arith.subf %sub3A_1112, %mul3A_1110 : vector<16xf32>
        %mul3A_1114 = arith.mulf %bitcast3A_1105, %sub3A_1113 : vector<16xf32>
        %mul3A_1115 = arith.mulf %mul3A_1108, %mul3A_1114 : vector<16xf32>
        %mul3A_1116 = arith.mulf %mul3A_1115, %mul3A_1114 : vector<16xf32>
        %sub3A_1117 = arith.constant 1.500000e+00 : f32
        %sub3A_1118 = vector.broadcast %sub3A_1117 : f32 to vector<16xf32>
        %sub3A_1119 = arith.subf %sub3A_1118, %mul3A_1116 : vector<16xf32>
        %mul3A_1120 = arith.mulf %mul3A_1114, %sub3A_1119 : vector<16xf32>
        %mul3A_1121 = arith.mulf %mul3A_1108, %mul3A_1120 : vector<16xf32>
        %mul3A_1122 = arith.mulf %mul3A_1121, %mul3A_1120 : vector<16xf32>
        %sub3A_1123 = arith.constant 1.500000e+00 : f32
        %sub3A_1124 = vector.broadcast %sub3A_1123 : f32 to vector<16xf32>
        %sub3A_1125 = arith.subf %sub3A_1124, %mul3A_1122 : vector<16xf32>
        %mul3A_1126 = arith.mulf %mul3A_1120, %sub3A_1125 : vector<16xf32>
        %mul3A_1127 = arith.mulf %add3A_1097, %mul3A_1126 : vector<16xf32>
        %add3A_1128 = vector.broadcast %scan3A : f32 to vector<16xf32>
        %add3A_1129 = arith.addf %mul3A_1127, %add3A_1128 : vector<16xf32>
        %mul3A_1130 = arith.mulf %sub3A_1087, %sub3A_1087 : vector<16xf32>
        %mul3A_1131 = arith.mulf %sub3A_1088, %sub3A_1088 : vector<16xf32>
        %add3A_1132 = arith.addf %mul3A_1130, %mul3A_1131 : vector<16xf32>
        %mul3A_1133 = arith.mulf %sub3A_1089, %sub3A_1089 : vector<16xf32>
        %add3A_1134 = arith.addf %add3A_1132, %mul3A_1133 : vector<16xf32>
        %bitcast3A_1135 = vector.bitcast %add3A_1134 : vector<16xf32> to vector<16xi32>
        %shift_right_arithmetic3A_1136 = arith.constant 1 : i32
        %shift_right_arithmetic3A_1137 = vector.broadcast %shift_right_arithmetic3A_1136 : i32 to vector<16xi32>
        %shift_right_arithmetic3A_1138 = arith.shrsi %bitcast3A_1135, %shift_right_arithmetic3A_1137 : vector<16xi32>
        %sub3A_1139 = arith.constant 1597463007 : i32
        %sub3A_1140 = vector.broadcast %sub3A_1139 : i32 to vector<16xi32>
        %sub3A_1141 = arith.subi %sub3A_1140, %shift_right_arithmetic3A_1138 : vector<16xi32>
        %bitcast3A_1142 = vector.bitcast %sub3A_1141 : vector<16xi32> to vector<16xf32>
        %mul3A_1143 = arith.constant 5.000000e-01 : f32
        %mul3A_1144 = vector.broadcast %mul3A_1143 : f32 to vector<16xf32>
        %mul3A_1145 = arith.mulf %add3A_1134, %mul3A_1144 : vector<16xf32>
        %mul3A_1146 = arith.mulf %mul3A_1145, %bitcast3A_1142 : vector<16xf32>
        %mul3A_1147 = arith.mulf %mul3A_1146, %bitcast3A_1142 : vector<16xf32>
        %sub3A_1148 = arith.constant 1.500000e+00 : f32
        %sub3A_1149 = vector.broadcast %sub3A_1148 : f32 to vector<16xf32>
        %sub3A_1150 = arith.subf %sub3A_1149, %mul3A_1147 : vector<16xf32>
        %mul3A_1151 = arith.mulf %bitcast3A_1142, %sub3A_1150 : vector<16xf32>
        %mul3A_1152 = arith.mulf %mul3A_1145, %mul3A_1151 : vector<16xf32>
        %mul3A_1153 = arith.mulf %mul3A_1152, %mul3A_1151 : vector<16xf32>
        %sub3A_1154 = arith.constant 1.500000e+00 : f32
        %sub3A_1155 = vector.broadcast %sub3A_1154 : f32 to vector<16xf32>
        %sub3A_1156 = arith.subf %sub3A_1155, %mul3A_1153 : vector<16xf32>
        %mul3A_1157 = arith.mulf %mul3A_1151, %sub3A_1156 : vector<16xf32>
        %mul3A_1158 = arith.mulf %mul3A_1145, %mul3A_1157 : vector<16xf32>
        %mul3A_1159 = arith.mulf %mul3A_1158, %mul3A_1157 : vector<16xf32>
        %sub3A_1160 = arith.constant 1.500000e+00 : f32
        %sub3A_1161 = vector.broadcast %sub3A_1160 : f32 to vector<16xf32>
        %sub3A_1162 = arith.subf %sub3A_1161, %mul3A_1159 : vector<16xf32>
        %mul3A_1163 = arith.mulf %mul3A_1157, %sub3A_1162 : vector<16xf32>
        %mul3A_1164 = arith.mulf %add3A_1134, %mul3A_1163 : vector<16xf32>
        %add3A_1165 = vector.broadcast %scan3A : f32 to vector<16xf32>
        %add3A_1166 = arith.addf %mul3A_1164, %add3A_1165 : vector<16xf32>
        %mul3A_1167 = arith.mulf %sub3A_1090, %sub3A_1090 : vector<16xf32>
        %mul3A_1168 = arith.mulf %sub3A_1091, %sub3A_1091 : vector<16xf32>
        %add3A_1169 = arith.addf %mul3A_1167, %mul3A_1168 : vector<16xf32>
        %mul3A_1170 = arith.mulf %sub3A_1092, %sub3A_1092 : vector<16xf32>
        %add3A_1171 = arith.addf %add3A_1169, %mul3A_1170 : vector<16xf32>
        %bitcast3A_1172 = vector.bitcast %add3A_1171 : vector<16xf32> to vector<16xi32>
        %shift_right_arithmetic3A_1173 = arith.constant 1 : i32
        %shift_right_arithmetic3A_1174 = vector.broadcast %shift_right_arithmetic3A_1173 : i32 to vector<16xi32>
        %shift_right_arithmetic3A_1175 = arith.shrsi %bitcast3A_1172, %shift_right_arithmetic3A_1174 : vector<16xi32>
        %sub3A_1176 = arith.constant 1597463007 : i32
        %sub3A_1177 = vector.broadcast %sub3A_1176 : i32 to vector<16xi32>
        %sub3A_1178 = arith.subi %sub3A_1177, %shift_right_arithmetic3A_1175 : vector<16xi32>
        %bitcast3A_1179 = vector.bitcast %sub3A_1178 : vector<16xi32> to vector<16xf32>
        %mul3A_1180 = arith.constant 5.000000e-01 : f32
        %mul3A_1181 = vector.broadcast %mul3A_1180 : f32 to vector<16xf32>
        %mul3A_1182 = arith.mulf %add3A_1171, %mul3A_1181 : vector<16xf32>
        %mul3A_1183 = arith.mulf %mul3A_1182, %bitcast3A_1179 : vector<16xf32>
        %mul3A_1184 = arith.mulf %mul3A_1183, %bitcast3A_1179 : vector<16xf32>
        %sub3A_1185 = arith.constant 1.500000e+00 : f32
        %sub3A_1186 = vector.broadcast %sub3A_1185 : f32 to vector<16xf32>
        %sub3A_1187 = arith.subf %sub3A_1186, %mul3A_1184 : vector<16xf32>
        %mul3A_1188 = arith.mulf %bitcast3A_1179, %sub3A_1187 : vector<16xf32>
        %mul3A_1189 = arith.mulf %mul3A_1182, %mul3A_1188 : vector<16xf32>
        %mul3A_1190 = arith.mulf %mul3A_1189, %mul3A_1188 : vector<16xf32>
        %sub3A_1191 = arith.constant 1.500000e+00 : f32
        %sub3A_1192 = vector.broadcast %sub3A_1191 : f32 to vector<16xf32>
        %sub3A_1193 = arith.subf %sub3A_1192, %mul3A_1190 : vector<16xf32>
        %mul3A_1194 = arith.mulf %mul3A_1188, %sub3A_1193 : vector<16xf32>
        %mul3A_1195 = arith.mulf %mul3A_1182, %mul3A_1194 : vector<16xf32>
        %mul3A_1196 = arith.mulf %mul3A_1195, %mul3A_1194 : vector<16xf32>
        %sub3A_1197 = arith.constant 1.500000e+00 : f32
        %sub3A_1198 = vector.broadcast %sub3A_1197 : f32 to vector<16xf32>
        %sub3A_1199 = arith.subf %sub3A_1198, %mul3A_1196 : vector<16xf32>
        %mul3A_1200 = arith.mulf %mul3A_1194, %sub3A_1199 : vector<16xf32>
        %mul3A_1201 = arith.mulf %add3A_1171, %mul3A_1200 : vector<16xf32>
        %add3A_1202 = vector.broadcast %scan3A : f32 to vector<16xf32>
        %add3A_1203 = arith.addf %mul3A_1201, %add3A_1202 : vector<16xf32>
        %swap3A_1204 = arith.index_cast %scan3A_50 : i32 to index
        %swap3A_1205 = arith.constant 112 : index
        %swap3A_1206 = tpu.vector_load %arg11[%swap3A_1204, %swap3A_1205] {strides = array<i32>} : memref<64x128xf32, #tpu.memory_space<vmem>>, vector<16xf32>,
        tpu.vector_store %arg11[%swap3A_1204, %swap3A_1205], %add3A_1129 {strides = array<i32>} : memref<64x128xf32, #tpu.memory_space<vmem>>, vector<16xf32>,
        %swap3A_1207 = arith.index_cast %scan3A_50 : i32 to index
        %swap3A_1208 = arith.constant 112 : index
        %swap3A_1209 = tpu.vector_load %arg12[%swap3A_1207, %swap3A_1208] {strides = array<i32>} : memref<64x128xf32, #tpu.memory_space<vmem>>, vector<16xf32>,
        tpu.vector_store %arg12[%swap3A_1207, %swap3A_1208], %add3A_1166 {strides = array<i32>} : memref<64x128xf32, #tpu.memory_space<vmem>>, vector<16xf32>,
        %swap3A_1210 = arith.index_cast %scan3A_50 : i32 to index
        %swap3A_1211 = arith.constant 112 : index
        %swap3A_1212 = tpu.vector_load %arg13[%swap3A_1210, %swap3A_1211] {strides = array<i32>} : memref<64x128xf32, #tpu.memory_space<vmem>>, vector<16xf32>,
        tpu.vector_store %arg13[%swap3A_1210, %swap3A_1211], %add3A_1203 {strides = array<i32>} : memref<64x128xf32, #tpu.memory_space<vmem>>, vector<16xf32>,
      }
      %scan3A_49 = arith.constant 64 : i32
      "tpu.region"() ({
        %run_scoped3A = tpu.sem_alloc : memref<!tpu.dma_semaphore, #tpu.memory_space<semaphore_mem>>
        %dma_start3A = arith.constant 0 : i32
        %dma_start3A_50 = tpu.memref_slice %arg5[%select_n3A, %add3A_44, %dma_start3A] : memref<16x4096x128xf32, #tpu.memory_space<hbm>> -> memref<1x64x128xf32, #tpu.memory_space<hbm>>
        %dma_start3A_51 = tpu.memref_squeeze %dma_start3A_50 : memref<1x64x128xf32, #tpu.memory_space<hbm>> -> memref<64x128xf32, #tpu.memory_space<hbm>>
        %dma_start3A_52 = arith.constant 0 : i32
        %dma_start3A_53 = tpu.memref_slice %arg5[%select_n3A, %add3A_44, %dma_start3A_52] : memref<16x4096x128xf32, #tpu.memory_space<hbm>> -> memref<1x64x128xf32, #tpu.memory_space<hbm>>
        %dma_start3A_54 = tpu.memref_squeeze %dma_start3A_53 : memref<1x64x128xf32, #tpu.memory_space<hbm>> -> memref<64x128xf32, #tpu.memory_space<hbm>>
        tpu.enqueue_dma source(%arg11 : memref<64x128xf32, #tpu.memory_space<vmem>>) target(%dma_start3A_54 : memref<64x128xf32, #tpu.memory_space<hbm>>) target_semaphore(%run_scoped3A : memref<!tpu.dma_semaphore, #tpu.memory_space<semaphore_mem>>)
        %dma_wait3A = arith.constant 0 : i32
        %dma_wait3A_55 = tpu.memref_slice %arg5[%select_n3A, %add3A_44, %dma_wait3A] : memref<16x4096x128xf32, #tpu.memory_space<hbm>> -> memref<1x64x128xf32, #tpu.memory_space<hbm>>
        %dma_wait3A_56 = tpu.memref_squeeze %dma_wait3A_55 : memref<1x64x128xf32, #tpu.memory_space<hbm>> -> memref<64x128xf32, #tpu.memory_space<hbm>>
        %dma_wait3A_57 = arith.constant 0 : i32
        %dma_wait3A_58 = tpu.memref_slice %arg5[%select_n3A, %add3A_44, %dma_wait3A_57] : memref<16x4096x128xf32, #tpu.memory_space<hbm>> -> memref<1x64x128xf32, #tpu.memory_space<hbm>>
        %dma_wait3A_59 = tpu.memref_squeeze %dma_wait3A_58 : memref<1x64x128xf32, #tpu.memory_space<hbm>> -> memref<64x128xf32, #tpu.memory_space<hbm>>
        tpu.wait_dma2 semaphore(%run_scoped3A : memref<!tpu.dma_semaphore, #tpu.memory_space<semaphore_mem>>) src(%arg11 : memref<64x128xf32, #tpu.memory_space<vmem>>) dst(%dma_wait3A_59 : memref<64x128xf32, #tpu.memory_space<hbm>>)
        tpu.yield
      }) : () -> ()
      "tpu.region"() ({
        %run_scoped3A = tpu.sem_alloc : memref<!tpu.dma_semaphore, #tpu.memory_space<semaphore_mem>>
        %dma_start3A = arith.constant 0 : i32
        %dma_start3A_50 = tpu.memref_slice %arg6[%select_n3A, %add3A_44, %dma_start3A] : memref<16x4096x128xf32, #tpu.memory_space<hbm>> -> memref<1x64x128xf32, #tpu.memory_space<hbm>>
        %dma_start3A_51 = tpu.memref_squeeze %dma_start3A_50 : memref<1x64x128xf32, #tpu.memory_space<hbm>> -> memref<64x128xf32, #tpu.memory_space<hbm>>
        %dma_start3A_52 = arith.constant 0 : i32
        %dma_start3A_53 = tpu.memref_slice %arg6[%select_n3A, %add3A_44, %dma_start3A_52] : memref<16x4096x128xf32, #tpu.memory_space<hbm>> -> memref<1x64x128xf32, #tpu.memory_space<hbm>>
        %dma_start3A_54 = tpu.memref_squeeze %dma_start3A_53 : memref<1x64x128xf32, #tpu.memory_space<hbm>> -> memref<64x128xf32, #tpu.memory_space<hbm>>
        tpu.enqueue_dma source(%arg12 : memref<64x128xf32, #tpu.memory_space<vmem>>) target(%dma_start3A_54 : memref<64x128xf32, #tpu.memory_space<hbm>>) target_semaphore(%run_scoped3A : memref<!tpu.dma_semaphore, #tpu.memory_space<semaphore_mem>>)
        %dma_wait3A = arith.constant 0 : i32
        %dma_wait3A_55 = tpu.memref_slice %arg6[%select_n3A, %add3A_44, %dma_wait3A] : memref<16x4096x128xf32, #tpu.memory_space<hbm>> -> memref<1x64x128xf32, #tpu.memory_space<hbm>>
        %dma_wait3A_56 = tpu.memref_squeeze %dma_wait3A_55 : memref<1x64x128xf32, #tpu.memory_space<hbm>> -> memref<64x128xf32, #tpu.memory_space<hbm>>
        %dma_wait3A_57 = arith.constant 0 : i32
        %dma_wait3A_58 = tpu.memref_slice %arg6[%select_n3A, %add3A_44, %dma_wait3A_57] : memref<16x4096x128xf32, #tpu.memory_space<hbm>> -> memref<1x64x128xf32, #tpu.memory_space<hbm>>
        %dma_wait3A_59 = tpu.memref_squeeze %dma_wait3A_58 : memref<1x64x128xf32, #tpu.memory_space<hbm>> -> memref<64x128xf32, #tpu.memory_space<hbm>>
        tpu.wait_dma2 semaphore(%run_scoped3A : memref<!tpu.dma_semaphore, #tpu.memory_space<semaphore_mem>>) src(%arg12 : memref<64x128xf32, #tpu.memory_space<vmem>>) dst(%dma_wait3A_59 : memref<64x128xf32, #tpu.memory_space<hbm>>)
        tpu.yield
      }) : () -> ()
      "tpu.region"() ({
        %run_scoped3A = tpu.sem_alloc : memref<!tpu.dma_semaphore, #tpu.memory_space<semaphore_mem>>
        %dma_start3A = arith.constant 0 : i32
        %dma_start3A_50 = tpu.memref_slice %arg7[%select_n3A, %add3A_44, %dma_start3A] : memref<16x4096x128xf32, #tpu.memory_space<hbm>> -> memref<1x64x128xf32, #tpu.memory_space<hbm>>
        %dma_start3A_51 = tpu.memref_squeeze %dma_start3A_50 : memref<1x64x128xf32, #tpu.memory_space<hbm>> -> memref<64x128xf32, #tpu.memory_space<hbm>>
        %dma_start3A_52 = arith.constant 0 : i32
        %dma_start3A_53 = tpu.memref_slice %arg7[%select_n3A, %add3A_44, %dma_start3A_52] : memref<16x4096x128xf32, #tpu.memory_space<hbm>> -> memref<1x64x128xf32, #tpu.memory_space<hbm>>
        %dma_start3A_54 = tpu.memref_squeeze %dma_start3A_53 : memref<1x64x128xf32, #tpu.memory_space<hbm>> -> memref<64x128xf32, #tpu.memory_space<hbm>>
        tpu.enqueue_dma source(%arg13 : memref<64x128xf32, #tpu.memory_space<vmem>>) target(%dma_start3A_54 : memref<64x128xf32, #tpu.memory_space<hbm>>) target_semaphore(%run_scoped3A : memref<!tpu.dma_semaphore, #tpu.memory_space<semaphore_mem>>)
        %dma_wait3A = arith.constant 0 : i32
        %dma_wait3A_55 = tpu.memref_slice %arg7[%select_n3A, %add3A_44, %dma_wait3A] : memref<16x4096x128xf32, #tpu.memory_space<hbm>> -> memref<1x64x128xf32, #tpu.memory_space<hbm>>
        %dma_wait3A_56 = tpu.memref_squeeze %dma_wait3A_55 : memref<1x64x128xf32, #tpu.memory_space<hbm>> -> memref<64x128xf32, #tpu.memory_space<hbm>>
        %dma_wait3A_57 = arith.constant 0 : i32
        %dma_wait3A_58 = tpu.memref_slice %arg7[%select_n3A, %add3A_44, %dma_wait3A_57] : memref<16x4096x128xf32, #tpu.memory_space<hbm>> -> memref<1x64x128xf32, #tpu.memory_space<hbm>>
        %dma_wait3A_59 = tpu.memref_squeeze %dma_wait3A_58 : memref<1x64x128xf32, #tpu.memory_space<hbm>> -> memref<64x128xf32, #tpu.memory_space<hbm>>
        tpu.wait_dma2 semaphore(%run_scoped3A : memref<!tpu.dma_semaphore, #tpu.memory_space<semaphore_mem>>) src(%arg13 : memref<64x128xf32, #tpu.memory_space<vmem>>) dst(%dma_wait3A_59 : memref<64x128xf32, #tpu.memory_space<hbm>>)
        tpu.yield
      }) : () -> ()
    }
    %scan3A_40 = arith.constant 32 : i32
    return
  }
}

</mosaic_0001>

<sc_bundles>
// kernel: kernel.3.cloned.1.call-start
scs
__scs_entry_jumppad:
0x0: {  	(pc) =	sbr.rel $0x88, $3  }
0x1: {  	(tag) =	ssettag $0x0;
	lr =	simm.s32 $0x1  }
0x2: {  	[smem:$0x3F9E] =	sst lr;
	_ =	strace $0xD0000000  }
0x3: {  	_ = 	snop  }
0x4: {  	_ = 	snop  }
0x5: {  	_ = 	snop  }
0x6: {  	_ = 	snop  }
0x7: {  	_ = 	snop  }
__scs_overlays_trampoline_lowered:
0x8: {  	[smem:$0x3FAD] =	sst s0  }
0x9: {  	[smem:$0x3FAE] =	sst s1  }
0xa: {  	[smem:$0x3FAF] =	sst s2  }
0xb: {  	[smem:$0x3FB0] =	sst s3  }
0xc: {  	[smem:$0x3FB1] =	sst s4  }
0xd: {  	[smem:$0x3FB2] =	sst s5  }
0xe: {  	[smem:$0x3FB3] =	sst s6  }
0xf: {  	[smem:$0x3FB4] =	sst s7  }
0x10: {  	[smem:$0x3FB5] =	sst s8  }
0x11: {  	[smem:$0x3FB6] =	sst s9;
	s0 =	simm.s32 @!p0 $0x0  }
0x12: {  	s1 =	sld [smem:$0x3F9C];
	s0 =	simm.s32 @p0 $0x1  }
0x13: {  	[smem:$0x3FB7] =	sst s0;
	s0 =	simm.s32 @!p1 $0x0  }
0x14: {  	s2 =	sld [smem:$0x3F9B];
	s0 =	simm.s32 @p1 $0x1  }
0x15: {  	[smem:$0x3FB8] =	sst s0;
	s0 =	simm.s32 @!p2 $0x0  }
0x16: {  	s3 =	sld [smem:$0x3FDB];
	s0 =	simm.s32 @p2 $0x1  }
0x17: {  	s4 =	simm.s32 $0x1BF5;
	[smem:$0x3FBA] =	sst s0  }
0x18: {  	s0 =	sld [smem:$0x3F9D];
	_ =	swait.ge [sflag:s4], $0x0  }
0x19: {  	s7 =	sld [smem:$0x3F9E]  }
0x1a: {  	s8 =	sadd.s32 $0xFFFFE003, lr  }
0x1b: {  	s9 =	sadd.s32 $0xFFFFFEF7, lr;
	s5 =	simm.s32 $0xFFFFFFFF;
	p2 =	slt.u32 s8, $0xFFFFF086  }
0x1c: {  	p1 =	slt.u32 s9, $0xF7A;
	s5 =	simm.s32 @!p2 $0x0  }
0x1d: {  	s5 =	simm.s32 @p1 $0x1;
	p0 =	seq.s32 s7, s2  }
0x1e: {  	s7 =	smul.u32 @!p0 $0xF7A, s2;
	p2 =	seq.s32 @!p0 s5, $0x0  }
0x1f: {  	s9 =	smul.u32 $0xF7A, s1;
	s8 =	simm.s32 @!p0 $0x1BF5;
	p2 =	por !p2, p0  }
0x20: {  	[sflag:s8] =	ssyncset.s32 @!p0 $0xFFFFF086;
	s6 =	sadd.s32 @!p0 s3, s7;
	s7 =	simm.s32 @!p0 $0x108  }
0x21: {  	s3 =	sadd.s32 s3, s9;
	s6 =	sadd.s32 @!p0 $0x88, s6;
	s7 =	simm.s32 @p2 $0x1082  }
0x22: {  	[simem:s7], [sflag:s8] =	dma.local @!p0 [hbm:s6], $0xF7A  }
0x23: {  	s9 =	sor.u32 $0xD0000000, s2;
	s6 =	simm.s32 $0x108;
	_ =	swait.ge @!p0 [sflag:s8], $0x0  }
0x24: {  	s3 =	sadd.s32 $0x88, s3;
	s6 =	simm.s32 @!p1 $0x1082;
	[sflag:s4] =	ssyncset.s32 $0xFFFFF086  }
0x25: {  	[simem:s6], [sflag:s4] =	dma.local [hbm:s3], $0xF7A  }
0x26: {  	[smem:$0x3F9E] =	sst s1;
	(tag) =	ssettag s2;
	_ =	strace s9  }
0x27: {  	s1 =	sld [smem:$0x3FAE]  }
0x28: {  	s2 =	sld [smem:$0x3FAF]  }
0x29: {  	s4 =	sld [smem:$0x3FB1]  }
0x2a: {  	p0 =	seq.s32 s5, $0x0;
	s5 =	sld [smem:$0x3FB2]  }
0x2b: {  	s6 =	sld [smem:$0x3FB3]  }
0x2c: {  	s7 =	sld [smem:$0x3FB4]  }
0x2d: {  	s3 =	simm.s32 $0x108;
	s8 =	sld [smem:$0x3FB5]  }
0x2e: {  	s3 =	simm.s32 @!p0 $0x1082;
	s9 =	sld [smem:$0x3FB6]  }
0x2f: {  	lr =	sadd.s32 s0, s3;
	s0 =	sld [smem:$0x3FAD]  }
0x30: {  	s3 =	sld [smem:$0x3FB0]  }
0x31: {  	[smem:$0x3FB9] =	sst s10  }
0x32: {  	s10 =	sld [smem:$0x3FB7];
	_ =	sdelay $0x3  }
0x33: {  	p0 =	seq.s32 s10, $0x1;
	s10 =	sld [smem:$0x3FB9];
	_ =	sdelay $0x3  }
0x34: {  	[smem:$0x3FB9] =	sst s10  }
0x35: {  	s10 =	sld [smem:$0x3FB8];
	_ =	sdelay $0x3  }
0x36: {  	p1 =	seq.s32 s10, $0x1;
	s10 =	sld [smem:$0x3FB9];
	_ =	sdelay $0x3  }
0x37: {  	[smem:$0x3FB9] =	sst s10  }
0x38: {  	s10 =	sld [smem:$0x3FBA]  }
0x39: {  	_ = 	snop;
	(pc) =	sbr.ind lr, $3  }
0x3a: {  	_ = 	snop  }
0x3b: {  	_ = 	snop  }
0x3c: {  	p2 =	seq.s32 s10, $0x1;
	s10 =	sld [smem:$0x3FB9]  }
0x3d: {  	_ =	shalt  }
0x3e: {  	_ =	shalt  }
0x3f: {  	_ =	shalt  }
0x40: {  	_ =	shalt  }
0x41: {  	_ =	shalt  }
0x42: {  	_ =	shalt  }
0x43: {  	_ =	shalt  }
0x44: {  	_ =	shalt  }
0x45: {  	_ =	shalt  }
0x46: {  	_ =	shalt  }
0x47: {  	_ =	shalt  }
0x48: {  	_ =	shalt  }
0x49: {  	_ =	shalt  }
0x4a: {  	_ =	shalt  }
0x4b: {  	_ =	shalt  }
0x4c: {  	_ =	shalt  }
0x4d: {  	_ =	shalt  }
0x4e: {  	_ =	shalt  }
0x4f: {  	_ =	shalt  }
0x50: {  	_ =	shalt  }
0x51: {  	_ =	shalt  }
0x52: {  	_ =	shalt  }
0x53: {  	_ =	shalt  }
0x54: {  	_ =	shalt  }
0x55: {  	_ =	shalt  }
0x56: {  	_ =	shalt  }
0x57: {  	_ =	shalt  }
0x58: {  	_ =	shalt  }
0x59: {  	_ =	shalt  }
0x5a: {  	_ =	shalt  }
0x5b: {  	_ =	shalt  }
0x5c: {  	_ =	shalt  }
0x5d: {  	_ =	shalt  }
0x5e: {  	_ =	shalt  }
0x5f: {  	_ =	shalt  }
0x60: {  	_ =	shalt  }
0x61: {  	_ =	shalt  }
0x62: {  	_ =	shalt  }
0x63: {  	_ =	shalt  }
0x64: {  	_ =	shalt  }
0x65: {  	_ =	shalt  }
0x66: {  	_ =	shalt  }
0x67: {  	_ =	shalt  }
0x68: {  	_ =	shalt  }
0x69: {  	_ =	shalt  }
0x6a: {  	_ =	shalt  }
0x6b: {  	_ =	shalt  }
0x6c: {  	_ =	shalt  }
0x6d: {  	_ =	shalt  }
0x6e: {  	_ =	shalt  }
0x6f: {  	_ =	shalt  }
0x70: {  	_ =	shalt  }
0x71: {  	_ =	shalt  }
0x72: {  	_ =	shalt  }
0x73: {  	_ =	shalt  }
0x74: {  	_ =	shalt  }
0x75: {  	_ =	shalt  }
0x76: {  	_ =	shalt  }
0x77: {  	_ =	shalt  }
0x78: {  	_ =	shalt  }
0x79: {  	_ =	shalt  }
0x7a: {  	_ =	shalt  }
0x7b: {  	_ =	shalt  }
0x7c: {  	_ =	shalt  }
0x7d: {  	_ =	shalt  }
0x7e: {  	_ =	shalt  }
0x7f: {  	_ =	shalt  }
0x80: {  	_ =	shalt  }
0x81: {  	_ =	shalt  }
0x82: {  	_ =	shalt  }
0x83: {  	_ =	shalt  }
0x84: {  	_ =	shalt  }
0x85: {  	_ =	shalt  }
0x86: {  	_ =	shalt  }
0x87: {  	_ =	shalt  }
.Lfunc_end0:
.L_simem_size_0:
called_computation_lowered:
.L_overlay_start_0:
0x88: {  	s2 =	sld [smem:$0x3FD9]  }
0x89: {  	s3 =	sld [smem:$0x3FFE];
	_ =	sdelay $0x1  }
0x8a: {  	s1 =	srdreg.scid  }
0x8b: {  	s0 =	sand.u32 $0x1, s1  }
0x8c: {  	s14 =	sshll.u32 s0, $0xA;
	s2 =	sadd.s32 s3, s2  }
0x8d: {  	s2 =	sadd.s32 s2, s14  }
0x8e: {  	[smem:$0x3FC5] =	sst s2  }
0x8f: {  	_ = 	snop  }
0x90: {  	s2 =	sld [smem:$0x3FD0];
	_ =	sdelay $0x1  }
0x91: {  	s15 =	sld [smem:$0x3FC8]  }
0x92: {  	s5 =	simm.s32 $0xA;
	s6 =	simm.s32 $0x10;
	s4 =	sld [smem:$0x3FC7]  }
0x93: {  	[smem:s6], [sflag:s5] =	dma.local [hbm:s2], $0x1  }
0x94: {  	_ =	swait.eq [sflag:s5], $0x1  }
0x95: {  	s16 =	sld [smem:$0x10];
	[sflag:s5] =	ssyncset.done $0x0  }
0x96: {  	s17 =	sld [smem:$0x11];
	[sflag:s5] =	ssyncadd.s32 $0xFFFFFFFF  }
0x97: {  	s18 =	sld [smem:$0x12];
	(tm) =	ssettm $0x1  }
0x98: {  	s7 =	sld [smem:$0x3FFB];
	_ =	sdelay $0x3  }
0x99: {  	_ =	strace s7  }
0x9a: {  	s7 =	sld [smem:$0x3FFC];
	_ =	sdelay $0x3  }
0x9b: {  	_ =	strace s7  }
0x9c: {  	s7 =	sld [smem:$0x3FFD];
	_ =	sdelay $0x3  }
0x9d: {  	_ =	strace s7  }
0x9e: {  	_ =	strace $0x8FFFFFFF  }
0x9f: {  	s19 =	sld [smem:$0x3FDB];
	_ =	sdelay $0x1  }
0xa0: {  	s8 =	simm.s32 $_scs_section_size  }
0xa1: {  	s9 =	simm.s32 $_size__tile_overlayer_lowered;
	s10 =	simm.s32 $_tile_overlayer_lowered  }
0xa2: {  	s22 =	simm.s32 $0x1BFF;
	s21 =	sshll.u32 s10, $0x1;
	s7 =	sadd.s32 s8, s19  }
0xa3: {  	s11 =	simm.s32 $0x0;
	s20 =	sshll.u32 s9, $0x1;
	s9 =	sadd.s32 s21, s7  }
0xa4: {  	[timem:s11], [sflag:s22] =	dma.local [hbm:s9], s20  }
0xa5: {  	_ =	swait.ge [sflag:s22], s20  }
0xa6: {  	s8 =	ssub.s32 $0x0, s20;
	[sflag:s22] =	ssyncset.done $0x0  }
0xa7: {  	[sflag:s22] =	ssyncadd.s32 s8;
	_ =	sdelay $0x1  }
0xa8: {  	s23 =	simm.s32 $0x1B8B  }
0xa9: {  	_ =	swait.ge [sflag:s23], $0x1  }
0xaa: {  	[sflag:s23] =	ssyncset.done $0x0  }
0xab: {  	s25 =	simm.s32 $0x1B8E;
	s24 =	sld [smem:$0x3FFE];
	[sflag:s23] =	ssyncadd.s32 $0xFFFFFFFF  }
0xac: {  	s26 =	simm.s32 $execute0_lowered;
	[smem:$0x3FD2] =	sst s25  }
0xad: {  	s9 =	sshll.u32 s26, $0x1;
	_ =	strace $0x80000046;
	[dreg:$0x1] =	wrdreg $0xFFFFFFFF  }
0xae: {  	s28 =	simm.s32 $_size_execute0_lowered;
	s7 =	sadd.s32 s7, s9;
	[dreg:$0x0] =	wrdreg $0x0  }
0xaf: {  	s9 =	sshll.u32 s28, $0x1;
	[dreg:$0x2] =	wrdreg s7  }
0xb0: {  	[dreg:$0x3] =	wrdreg s9  }
0xb1: {  	[dreg:$0x4] =	wrdreg $0xC0  }
0xb2: {  	_ =	task [dreg:s11], $0x5FFFF  }
0xb3: {  	[dreg:$0x1] =	wrdreg $0xFFFFFFFF  }
0xb4: {  	[dreg:$0x0] =	wrdreg $0x60  }
0xb5: {  	[dreg:$0x2] =	wrdreg s24  }
0xb6: {  	[dreg:$0x3] =	wrdreg s15  }
0xb7: {  	[dreg:$0x4] =	wrdreg s4  }
0xb8: {  	[dreg:$0x5] =	wrdreg s16  }
0xb9: {  	[dreg:$0x6] =	wrdreg s17  }
0xba: {  	[dreg:$0x7] =	wrdreg s18  }
0xbb: {  	[dreg:$0x8] =	wrdreg $0x9  }
0xbc: {  	_ =	task.clear_ibuf [dreg:s11], $0x9FFFF;
	_ =	strace $0x90000046  }
0xbd: {  	s29 =	simm.s32 $0x9;
	_ =	strace $0x80000048  }
0xbe: {  	_ =	swait.ge [sflag:s29], $0x1  }
0xbf: {  	[sflag:s29] =	ssyncadd.s32 $0xFFFFFFFF  }
0xc0: {  	_ =	strace $0x90000048  }
0xc1: {  	_ =	sfence  }
0xc2: {  	s30 =	sld [smem:$0x0];
	_ =	sdelay $0x2  }
0xc3: {  	s31 =	sshll.u32 s1, $0xD;
	s1 =	sshrl.u32 s1, $0x2  }
0xc4: {  	s3 =	sand.u32 $0x4000, s31;
	s1 =	sadd.s32 s1, s30  }
0xc5: {  	s0 =	sor.u32 s3, s0;
	s1 =	sshll.u32 s1, $0x11  }
0xc6: {  	s0 =	sor.u32 s1, s0  }
0xc7: {  	s0 =	sadd.s32 $0x8F2B, s0  }
0xc8: {  	[sflag:s0] =	ssyncadd.remote.s32 $0x1  }
0xc9: {  	_ =	sfence.sel $0xFFFF  }
0xca: {  	[dreg:$0x0] =	wrdreg $0xFFFFFFFF;
	(pc) =	sbr.abs _section_cstart, $3  }
0xcb: {  	[dreg:$0x1] =	wrdreg $0xFFFFFFFF  }
0xcc: {  	_ =	task.clear_ibuf [dreg:s11], $0x2FFFF;
	_ =	strace $0x9FFFFFFF  }
0xcd: {  	(tm) =	ssettm $0x7FFFFFFF  }
tec
execute0_lowered:
.L_overlay_start_1:
0x0: {  	(tag) =	ssettag $0x1  }
0x1: {  	s1 =	srdreg.scid;
	s10 =	rddreg [dreg:$0x0]  }
0x2: {  	s0 =	stileid.u32;
	s2 =	rddreg [dreg:$0x2];
	s9 =	sand.u32 $0x1, s1  }
0x3: {  	s4 =	simm.s32 $0x1;
	s3 =	rddreg [dreg:$0x3];
	s1 =	sor.u32 s9, s0  }
0x4: {  	s5 =	rddreg [dreg:$0x4];
	p1 =	seq.s32 s9, $0x1;
	p0 =	seq.s32 s1, $0x0  }
0x5: {  	s6 =	rddreg [dreg:$0x5];
	s7 =	simm.s32 $0x0;
	p0 =	por !p0, !p1  }
0x6: {  	s15 =	simm.s32 $0x3000;
	s16 =	simm.s32 $0x5000;
	p0 =	por !p0, !p0  }
0x7: {  	s17 =	simm.s32 $0x7000;
	s18 =	simm.s32 $0x9000;
	s4 =	simm.s32 @!p0 $0x0  }
0x8: {  	s19 =	simm.s32 $0xB000;
	s20 =	simm.s32 $0x0;
	s11 =	ssub.s32 s0, s4  }
0x9: {  	[smem:$0x7FF] =	sst s7;
	s31 =	ssub.s32 $0x2, s9;
	s4 =	sshrl.u32 s11, $0x3  }
0xa: {  	s9 =	sshll.u32 s9, $0xB;
	s12 =	sshll.u32 s11, $0x7;
	s8 =	smul.u32 $0x18000, s4  }
0xb: {  	s1 =	rddreg [dreg:$0x1];
	s14 =	sshrl.u32 s31, $0x1;
	s12 =	sand.u32 $0x380, s12  }
0xc: {  	s11 =	sshll.u32 s11, $0x13;
	s4 =	rddreg [dreg:$0x6];
	s8 =	sor.u32 s12, s8  }
0xd: {  	_ =	strace $0x80000047;
	s12 =	ssub.s32 s31, s14;
	s13 =	sshrl.u32 s8, $0x3  }
0xe: {  	s14 =	simm.s32 $0x400;
	s8 =	simm.s32 $0x1;
	s10 =	sadd.s32 s13, s10  }
0xf: {  	s12 =	smax.u32 s12, $0x1;
	s13 =	simm.s32 $0x80;
	s10 =	sadd.s32 $0x600, s10  }
.LBB2_1:
0x10: {  	[tilespmem:s7], [sflag:$0x1] =	stream.strided.gather [hbm4b:s10+s13], $0x3000, s14, s13, $0x38;
	[tilespmem:$0xD000] =	vst v63  }
0x11: {  	_ =	swait.ge [sflag:s8], $0x3000  }
0x12: {  	[sflag:s8] =	ssyncset.done $0x0  }
0x13: {  	s21 =	smov.u32 s9;
	s22 =	simm.s32 $0x0;
	[sflag:s8] =	ssyncadd.s32 $0xFFFFD000  }
.LBB2_2:
0x14: {  	s23 =	sshll.u32 s22, $0x6  }
0x15: {  	s23 =	sadd.s32 s9, s23  }
0x16: {  	s23 =	sshll.u32 s23, $0x7  }
0x17: {  	s23 =	sadd.s32 s11, s23  }
0x18: {  	s23 =	sshrl.u32 s23, $0x3  }
0x19: {  	s24 =	simm.s32 $0x0;
	s25 =	sadd.s32 s1, s23  }
0x1a: {  	[tilespmem:s15], [sflag:$0x1] =	stream.linear.gather [hbm4b:s25+s24], $0x2000, $0x38;
	[tilespmem:$0xD000] =	vst v63  }
0x1b: {  	_ =	swait.ge [sflag:s8], $0x2000  }
0x1c: {  	[sflag:s8] =	ssyncset.done $0x0  }
0x1d: {  	s31 =	sadd.s32 s2, s23;
	[sflag:s8] =	ssyncadd.s32 $0xFFFFE000  }
0x1e: {  	[tilespmem:s16], [sflag:$0x1] =	stream.linear.gather [hbm4b:s31+s24], $0x2000, $0x38;
	[tilespmem:$0xD000] =	vst v63  }
0x1f: {  	_ =	swait.ge [sflag:s8], $0x2000  }
0x20: {  	[sflag:s8] =	ssyncset.done $0x0  }
0x21: {  	s25 =	smov.u32 s21;
	[sflag:s8] =	ssyncadd.s32 $0xFFFFE000  }
.LBB2_3:
0x22: {  	s26 =	sshra.s32 s24, $0x2  }
0x23: {  	v0 =	vmov s25;
	v3 =	vld [tilespmem:s26+$0x3000]  }
0x24: {  	v1 =	vor.u32 $0x1000, v0;
	v4 =	vld [tilespmem:s26+$0x5000]  }
0x25: {  	v2 =	vor.u32 $0x2000, v0;
	_ =	sdelay $0x2  }
0x26: {  	v0 =	vld.idx.msk [tilespmem:v0+s7+$0x0], $0xffff;
	v5 =	vadd.s32 $0x1000, v3  }
0x27: {  	v6 =	vadd.s32 $0x2000, v3;
	v1 =	vld.idx.msk [tilespmem:v1+s7+$0x0], $0xffff  }
0x28: {  	v2 =	vld.idx.msk [tilespmem:v2+s7+$0x0], $0xffff;
	v7 =	vadd.s32 $0x1000, v4  }
0x29: {  	v3 =	vld.idx.msk [tilespmem:v3+s7+$0x0], $0xffff  }
0x2a: {  	v8 =	vadd.s32 $0x2000, v4;
	v4 =	vld.idx.msk [tilespmem:v4+s7+$0x0], $0xffff  }
0x2b: {  	v5 =	vld.idx.msk [tilespmem:v5+s7+$0x0], $0xffff  }
0x2c: {  	v6 =	vld.idx.msk [tilespmem:v6+s7+$0x0], $0xffff  }
0x2d: {  	v7 =	vld.idx.msk [tilespmem:v7+s7+$0x0], $0xffff;
	_ =	sdelay $0x1  }
0x2e: {  	v8 =	vld.idx.msk [tilespmem:v8+s7+$0x0], $0xffff  }
0x2f: {  	v9 =	vsub.f32 v3, v0;
	v12 =	vsub.f32 v4, v0  }
0x30: {  	v3 =	vsub.f32 v3, v4;
	v10 =	vsub.f32 v5, v1  }
0x31: {  	v11 =	vsub.f32 v6, v2;
	v13 =	vsub.f32 v7, v1;
	v9 =	vmul.f32 v9, v9  }
0x32: {  	v44 =	vsub.f32 v5, v7;
	v47 =	vmul.f32 v12, v12;
	v3 =	vmul.f32 v3, v3  }
0x33: {  	v14 =	vsub.f32 v8, v2;
	v10 =	vmul.f32 v10, v10;
	v48 =	vmul.f32 v13, v13  }
0x34: {  	v6 =	vsub.f32 v6, v8;
	v45 =	vmul.f32 v11, v11;
	v4 =	vmul.f32 v44, v44  }
0x35: {  	v50 =	vmul.f32 v14, v14;
	v46 =	vadd.f32 v10, v9;
	v49 =	vadd.f32 v48, v47  }
0x36: {  	v51 =	vmul.f32 v6, v6;
	v3 =	vadd.f32 v4, v3  }
0x37: {  	v5 =	vadd.f32 v45, v46;
	v7 =	vadd.f32 v50, v49  }
0x38: {  	v3 =	vadd.f32 v51, v3  }
0x39: {  	v52 =	vshra.s32 v5, $0x1;
	v53 =	vmul.f32 $5.000000000e-01, v5;
	v8 =	vshra.s32 v7, $0x1  }
0x3a: {  	v55 =	vmul.f32 $5.000000000e-01, v7;
	v56 =	vshra.s32 v3, $0x1;
	v6 =	vsub.s32 $0x5F3759DF, v52  }
0x3b: {  	v57 =	vmul.f32 $5.000000000e-01, v3;
	v8 =	vsub.s32 $0x5F3759DF, v8;
	v54 =	vmul.f32 v6, v53  }
0x3c: {  	v11 =	vsub.s32 $0x5F3759DF, v56;
	v58 =	vmul.f32 v8, v55  }
0x3d: {  	v59 =	vmul.f32 v11, v57;
	v4 =	vmul.f32 v6, v54  }
0x3e: {  	v13 =	vmul.f32 v8, v58  }
0x3f: {  	v14 =	vmul.f32 v11, v59;
	v4 =	vsub.f32 $1.500000000e+00, v4  }
0x40: {  	v13 =	vsub.f32 $1.500000000e+00, v13  }
0x41: {  	v60 =	vsub.f32 $1.500000000e+00, v14;
	v4 =	vmul.f32 v6, v4  }
0x42: {  	v8 =	vmul.f32 v8, v13  }
0x43: {  	v6 =	vmul.f32 v11, v60;
	v61 =	vmul.f32 v4, v53  }
0x44: {  	v62 =	vmul.f32 v8, v55  }
0x45: {  	v63 =	vmul.f32 v6, v57;
	v13 =	vmul.f32 v61, v4  }
0x46: {  	v11 =	vmul.f32 v62, v8  }
0x47: {  	v14 =	vmul.f32 v63, v6;
	v13 =	vsub.f32 $1.500000000e+00, v13  }
0x48: {  	v11 =	vsub.f32 $1.500000000e+00, v11  }
0x49: {  	v16 =	vsub.f32 $1.500000000e+00, v14;
	v4 =	vmul.f32 v13, v4  }
0x4a: {  	v8 =	vmul.f32 v11, v8  }
0x4b: {  	v6 =	vmul.f32 v16, v6;
	v9 =	vmul.f32 v4, v53  }
0x4c: {  	v10 =	vmul.f32 v8, v55  }
0x4d: {  	v17 =	vmul.f32 v6, v57;
	v9 =	vmul.f32 v9, v4  }
0x4e: {  	v10 =	vmul.f32 v10, v8  }
0x4f: {  	v11 =	vmul.f32 v17, v6;
	v9 =	vsub.f32 $1.500000000e+00, v9  }
0x50: {  	v10 =	vsub.f32 $1.500000000e+00, v10  }
0x51: {  	v19 =	vld [tilespmem:s26+$0x3010];
	v18 =	vsub.f32 $1.500000000e+00, v11;
	v4 =	vmul.f32 v9, v4  }
0x52: {  	v8 =	vmul.f32 v10, v8  }
0x53: {  	v20 =	vmul.f32 v18, v6;
	v4 =	vmul.f32 v4, v5  }
0x54: {  	v22 =	vld [tilespmem:s26+$0x5010];
	v21 =	vmul.f32 v8, v7  }
0x55: {  	v3 =	vmul.f32 v20, v3;
	v4 =	vadd.f32 $9.999999710e-10, v4  }
0x56: {  	v24 =	vadd.s32 $0x1000, v19;
	v23 =	vadd.f32 $9.999999710e-10, v21  }
0x57: {  	v25 =	vadd.s32 $0x2000, v19;
	v3 =	vadd.f32 $9.999999710e-10, v3;
	[tilespmem:s26+$0x7000] =	vst v4  }
0x58: {  	[tilespmem:s26+$0x9000] =	vst v23  }
0x59: {  	v26 =	vadd.s32 $0x1000, v22;
	[tilespmem:s26+$0xB000] =	vst v3  }
0x5a: {  	v5 =	vld.idx.msk [tilespmem:v19+s7+$0x0], $0xffff  }
0x5b: {  	v27 =	vadd.s32 $0x2000, v22;
	v6 =	vld.idx.msk [tilespmem:v24+s7+$0x0], $0xffff  }
0x5c: {  	v4 =	vld.idx.msk [tilespmem:v25+s7+$0x0], $0xffff  }
0x5d: {  	v7 =	vld.idx.msk [tilespmem:v22+s7+$0x0], $0xffff  }
0x5e: {  	v3 =	vld.idx.msk [tilespmem:v26+s7+$0x0], $0xffff;
	_ =	sdelay $0x1  }
0x5f: {  	v8 =	vld.idx.msk [tilespmem:v27+s7+$0x0], $0xffff  }
0x60: {  	v28 =	vsub.f32 v5, v0;
	v29 =	vsub.f32 v6, v1  }
0x61: {  	v30 =	vsub.f32 v4, v2;
	v31 =	vsub.f32 v7, v0  }
0x62: {  	v32 =	vsub.f32 v3, v1;
	v5 =	vsub.f32 v5, v7;
	v9 =	vmul.f32 v28, v28  }
0x63: {  	v3 =	vsub.f32 v6, v3;
	v10 =	vmul.f32 v29, v29;
	v34 =	vmul.f32 v30, v30  }
0x64: {  	v33 =	vsub.f32 v8, v2;
	v36 =	vmul.f32 v31, v31;
	v37 =	vmul.f32 v32, v32  }
0x65: {  	v4 =	vsub.f32 v4, v8;
	v5 =	vmul.f32 v5, v5;
	v3 =	vmul.f32 v3, v3  }
0x66: {  	v39 =	vmul.f32 v33, v33;
	v35 =	vadd.f32 v10, v9;
	v38 =	vadd.f32 v37, v36  }
0x67: {  	v4 =	vmul.f32 v4, v4;
	v3 =	vadd.f32 v3, v5  }
0x68: {  	v6 =	vadd.f32 v34, v35;
	v7 =	vadd.f32 v39, v38  }
0x69: {  	v3 =	vadd.f32 v4, v3  }
0x6a: {  	v40 =	vshra.s32 v6, $0x1;
	v41 =	vmul.f32 $5.000000000e-01, v6;
	v8 =	vshra.s32 v7, $0x1  }
0x6b: {  	v43 =	vmul.f32 $5.000000000e-01, v7;
	v44 =	vshra.s32 v3, $0x1;
	v5 =	vsub.s32 $0x5F3759DF, v40  }
0x6c: {  	v45 =	vmul.f32 $5.000000000e-01, v3;
	v8 =	vsub.s32 $0x5F3759DF, v8;
	v42 =	vmul.f32 v5, v41  }
0x6d: {  	v11 =	vsub.s32 $0x5F3759DF, v44;
	v46 =	vmul.f32 v8, v43  }
0x6e: {  	v47 =	vmul.f32 v11, v45;
	v4 =	vmul.f32 v5, v42  }
0x6f: {  	v13 =	vmul.f32 v8, v46  }
0x70: {  	v14 =	vmul.f32 v11, v47;
	v4 =	vsub.f32 $1.500000000e+00, v4  }
0x71: {  	v13 =	vsub.f32 $1.500000000e+00, v13  }
0x72: {  	v48 =	vsub.f32 $1.500000000e+00, v14;
	v4 =	vmul.f32 v5, v4  }
0x73: {  	v8 =	vmul.f32 v8, v13  }
0x74: {  	v5 =	vmul.f32 v11, v48;
	v49 =	vmul.f32 v4, v41  }
0x75: {  	v50 =	vmul.f32 v8, v43  }
0x76: {  	v51 =	vmul.f32 v5, v45;
	v13 =	vmul.f32 v49, v4  }
0x77: {  	v11 =	vmul.f32 v50, v8  }
0x78: {  	v14 =	vmul.f32 v51, v5;
	v13 =	vsub.f32 $1.500000000e+00, v13  }
0x79: {  	v11 =	vsub.f32 $1.500000000e+00, v11  }
0x7a: {  	v52 =	vsub.f32 $1.500000000e+00, v14;
	v4 =	vmul.f32 v13, v4  }
0x7b: {  	v8 =	vmul.f32 v11, v8  }
0x7c: {  	v5 =	vmul.f32 v52, v5;
	v9 =	vmul.f32 v4, v41  }
0x7d: {  	v10 =	vmul.f32 v8, v43  }
0x7e: {  	v53 =	vmul.f32 v5, v45;
	v9 =	vmul.f32 v9, v4  }
0x7f: {  	v10 =	vmul.f32 v10, v8  }
0x80: {  	v11 =	vmul.f32 v53, v5;
	v9 =	vsub.f32 $1.500000000e+00, v9  }
0x81: {  	v10 =	vsub.f32 $1.500000000e+00, v10  }
0x82: {  	v55 =	vld [tilespmem:s26+$0x3020];
	v54 =	vsub.f32 $1.500000000e+00, v11;
	v4 =	vmul.f32 v9, v4  }
0x83: {  	v8 =	vmul.f32 v10, v8  }
0x84: {  	v5 =	vmul.f32 v54, v5;
	v4 =	vmul.f32 v4, v6  }
0x85: {  	v57 =	vld [tilespmem:s26+$0x5020];
	v56 =	vmul.f32 v8, v7  }
0x86: {  	v3 =	vmul.f32 v5, v3;
	v4 =	vadd.f32 $9.999999710e-10, v4  }
0x87: {  	v59 =	vadd.s32 $0x1000, v55;
	v58 =	vadd.f32 $9.999999710e-10, v56  }
0x88: {  	v60 =	vadd.s32 $0x2000, v55;
	v3 =	vadd.f32 $9.999999710e-10, v3;
	[tilespmem:s26+$0x7010] =	vst v4  }
0x89: {  	[tilespmem:s26+$0x9010] =	vst v58  }
0x8a: {  	v61 =	vadd.s32 $0x1000, v57;
	[tilespmem:s26+$0xB010] =	vst v3  }
0x8b: {  	v5 =	vld.idx.msk [tilespmem:v55+s7+$0x0], $0xffff  }
0x8c: {  	v62 =	vadd.s32 $0x2000, v57;
	v6 =	vld.idx.msk [tilespmem:v59+s7+$0x0], $0xffff  }
0x8d: {  	v4 =	vld.idx.msk [tilespmem:v60+s7+$0x0], $0xffff  }
0x8e: {  	v7 =	vld.idx.msk [tilespmem:v57+s7+$0x0], $0xffff  }
0x8f: {  	v3 =	vld.idx.msk [tilespmem:v61+s7+$0x0], $0xffff;
	_ =	sdelay $0x1  }
0x90: {  	v8 =	vld.idx.msk [tilespmem:v62+s7+$0x0], $0xffff  }
0x91: {  	v63 =	vsub.f32 v5, v0;
	v16 =	vsub.f32 v6, v1  }
0x92: {  	v17 =	vsub.f32 v4, v2;
	v18 =	vsub.f32 v7, v0  }
0x93: {  	v19 =	vsub.f32 v3, v1;
	v5 =	vsub.f32 v5, v7;
	v9 =	vmul.f32 v63, v63  }
0x94: {  	v3 =	vsub.f32 v6, v3;
	v10 =	vmul.f32 v16, v16;
	v21 =	vmul.f32 v17, v17  }
0x95: {  	v20 =	vsub.f32 v8, v2;
	v23 =	vmul.f32 v18, v18;
	v24 =	vmul.f32 v19, v19  }
0x96: {  	v4 =	vsub.f32 v4, v8;
	v5 =	vmul.f32 v5, v5;
	v3 =	vmul.f32 v3, v3  }
0x97: {  	v26 =	vmul.f32 v20, v20;
	v22 =	vadd.f32 v10, v9;
	v25 =	vadd.f32 v24, v23  }
0x98: {  	v4 =	vmul.f32 v4, v4;
	v3 =	vadd.f32 v3, v5  }
0x99: {  	v6 =	vadd.f32 v21, v22;
	v7 =	vadd.f32 v26, v25  }
0x9a: {  	v3 =	vadd.f32 v4, v3  }
0x9b: {  	v27 =	vshra.s32 v6, $0x1;
	v28 =	vmul.f32 $5.000000000e-01, v6;
	v8 =	vshra.s32 v7, $0x1  }
0x9c: {  	v30 =	vmul.f32 $5.000000000e-01, v7;
	v31 =	vshra.s32 v3, $0x1;
	v5 =	vsub.s32 $0x5F3759DF, v27  }
0x9d: {  	v32 =	vmul.f32 $5.000000000e-01, v3;
	v8 =	vsub.s32 $0x5F3759DF, v8;
	v29 =	vmul.f32 v5, v28  }
0x9e: {  	v11 =	vsub.s32 $0x5F3759DF, v31;
	v33 =	vmul.f32 v8, v30  }
0x9f: {  	v34 =	vmul.f32 v11, v32;
	v4 =	vmul.f32 v5, v29  }
0xa0: {  	v13 =	vmul.f32 v8, v33  }
0xa1: {  	v14 =	vmul.f32 v11, v34;
	v4 =	vsub.f32 $1.500000000e+00, v4  }
0xa2: {  	v13 =	vsub.f32 $1.500000000e+00, v13  }
0xa3: {  	v35 =	vsub.f32 $1.500000000e+00, v14;
	v4 =	vmul.f32 v5, v4  }
0xa4: {  	v8 =	vmul.f32 v8, v13  }
0xa5: {  	v5 =	vmul.f32 v11, v35;
	v36 =	vmul.f32 v4, v28  }
0xa6: {  	v37 =	vmul.f32 v8, v30  }
0xa7: {  	v38 =	vmul.f32 v5, v32;
	v13 =	vmul.f32 v36, v4  }
0xa8: {  	v11 =	vmul.f32 v37, v8  }
0xa9: {  	v14 =	vmul.f32 v38, v5;
	v13 =	vsub.f32 $1.500000000e+00, v13  }
0xaa: {  	v11 =	vsub.f32 $1.500000000e+00, v11  }
0xab: {  	v39 =	vsub.f32 $1.500000000e+00, v14;
	v4 =	vmul.f32 v13, v4  }
0xac: {  	v8 =	vmul.f32 v11, v8  }
0xad: {  	v5 =	vmul.f32 v39, v5;
	v9 =	vmul.f32 v4, v28  }
0xae: {  	v10 =	vmul.f32 v8, v30  }
0xaf: {  	v40 =	vmul.f32 v5, v32;
	v9 =	vmul.f32 v9, v4  }
0xb0: {  	v10 =	vmul.f32 v10, v8  }
0xb1: {  	v11 =	vmul.f32 v40, v5;
	v9 =	vsub.f32 $1.500000000e+00, v9  }
0xb2: {  	v10 =	vsub.f32 $1.500000000e+00, v10  }
0xb3: {  	v42 =	vld [tilespmem:s26+$0x3030];
	v41 =	vsub.f32 $1.500000000e+00, v11;
	v4 =	vmul.f32 v9, v4  }
0xb4: {  	v8 =	vmul.f32 v10, v8  }
0xb5: {  	v5 =	vmul.f32 v41, v5;
	v4 =	vmul.f32 v4, v6  }
0xb6: {  	v44 =	vld [tilespmem:s26+$0x5030];
	v43 =	vmul.f32 v8, v7  }
0xb7: {  	v3 =	vmul.f32 v5, v3;
	v4 =	vadd.f32 $9.999999710e-10, v4  }
0xb8: {  	v46 =	vadd.s32 $0x1000, v42;
	v45 =	vadd.f32 $9.999999710e-10, v43  }
0xb9: {  	v47 =	vadd.s32 $0x2000, v42;
	v3 =	vadd.f32 $9.999999710e-10, v3;
	[tilespmem:s26+$0x7020] =	vst v4  }
0xba: {  	[tilespmem:s26+$0x9020] =	vst v45  }
0xbb: {  	v48 =	vadd.s32 $0x1000, v44;
	[tilespmem:s26+$0xB020] =	vst v3  }
0xbc: {  	v5 =	vld.idx.msk [tilespmem:v42+s7+$0x0], $0xffff  }
0xbd: {  	v49 =	vadd.s32 $0x2000, v44;
	v6 =	vld.idx.msk [tilespmem:v46+s7+$0x0], $0xffff  }
0xbe: {  	v4 =	vld.idx.msk [tilespmem:v47+s7+$0x0], $0xffff  }
0xbf: {  	v7 =	vld.idx.msk [tilespmem:v44+s7+$0x0], $0xffff  }
0xc0: {  	v3 =	vld.idx.msk [tilespmem:v48+s7+$0x0], $0xffff;
	_ =	sdelay $0x1  }
0xc1: {  	v8 =	vld.idx.msk [tilespmem:v49+s7+$0x0], $0xffff  }
0xc2: {  	v50 =	vsub.f32 v5, v0;
	v51 =	vsub.f32 v6, v1  }
0xc3: {  	v52 =	vsub.f32 v4, v2;
	v53 =	vsub.f32 v7, v0  }
0xc4: {  	v54 =	vsub.f32 v3, v1;
	v5 =	vsub.f32 v5, v7;
	v9 =	vmul.f32 v50, v50  }
0xc5: {  	v3 =	vsub.f32 v6, v3;
	v10 =	vmul.f32 v51, v51;
	v56 =	vmul.f32 v52, v52  }
0xc6: {  	v55 =	vsub.f32 v8, v2;
	v58 =	vmul.f32 v53, v53;
	v59 =	vmul.f32 v54, v54  }
0xc7: {  	v4 =	vsub.f32 v4, v8;
	v5 =	vmul.f32 v5, v5;
	v3 =	vmul.f32 v3, v3  }
0xc8: {  	v61 =	vmul.f32 v55, v55;
	v57 =	vadd.f32 v10, v9;
	v60 =	vadd.f32 v59, v58  }
0xc9: {  	v4 =	vmul.f32 v4, v4;
	v3 =	vadd.f32 v3, v5  }
0xca: {  	v6 =	vadd.f32 v56, v57;
	v7 =	vadd.f32 v61, v60  }
0xcb: {  	v3 =	vadd.f32 v4, v3  }
0xcc: {  	v62 =	vshra.s32 v6, $0x1;
	v63 =	vmul.f32 $5.000000000e-01, v6;
	v8 =	vshra.s32 v7, $0x1  }
0xcd: {  	v17 =	vmul.f32 $5.000000000e-01, v7;
	v18 =	vshra.s32 v3, $0x1;
	v5 =	vsub.s32 $0x5F3759DF, v62  }
0xce: {  	v19 =	vmul.f32 $5.000000000e-01, v3;
	v8 =	vsub.s32 $0x5F3759DF, v8;
	v16 =	vmul.f32 v5, v63  }
0xcf: {  	v11 =	vsub.s32 $0x5F3759DF, v18;
	v20 =	vmul.f32 v8, v17  }
0xd0: {  	v21 =	vmul.f32 v11, v19;
	v4 =	vmul.f32 v5, v16  }
0xd1: {  	v13 =	vmul.f32 v8, v20  }
0xd2: {  	v14 =	vmul.f32 v11, v21;
	v4 =	vsub.f32 $1.500000000e+00, v4  }
0xd3: {  	v13 =	vsub.f32 $1.500000000e+00, v13  }
0xd4: {  	v22 =	vsub.f32 $1.500000000e+00, v14;
	v4 =	vmul.f32 v5, v4  }
0xd5: {  	v8 =	vmul.f32 v8, v13  }
0xd6: {  	v5 =	vmul.f32 v11, v22;
	v23 =	vmul.f32 v4, v63  }
0xd7: {  	v24 =	vmul.f32 v8, v17  }
0xd8: {  	v25 =	vmul.f32 v5, v19;
	v13 =	vmul.f32 v23, v4  }
0xd9: {  	v11 =	vmul.f32 v24, v8  }
0xda: {  	v14 =	vmul.f32 v25, v5;
	v13 =	vsub.f32 $1.500000000e+00, v13  }
0xdb: {  	v11 =	vsub.f32 $1.500000000e+00, v11  }
0xdc: {  	v26 =	vsub.f32 $1.500000000e+00, v14;
	v4 =	vmul.f32 v13, v4  }
0xdd: {  	v8 =	vmul.f32 v11, v8  }
0xde: {  	v5 =	vmul.f32 v26, v5;
	v9 =	vmul.f32 v4, v63  }
0xdf: {  	v10 =	vmul.f32 v8, v17  }
0xe0: {  	v27 =	vmul.f32 v5, v19;
	v9 =	vmul.f32 v9, v4  }
0xe1: {  	v10 =	vmul.f32 v10, v8  }
0xe2: {  	v11 =	vmul.f32 v27, v5;
	v9 =	vsub.f32 $1.500000000e+00, v9  }
0xe3: {  	v10 =	vsub.f32 $1.500000000e+00, v10  }
0xe4: {  	v29 =	vld [tilespmem:s26+$0x3040];
	v28 =	vsub.f32 $1.500000000e+00, v11;
	v4 =	vmul.f32 v9, v4  }
0xe5: {  	v8 =	vmul.f32 v10, v8  }
0xe6: {  	v5 =	vmul.f32 v28, v5;
	v4 =	vmul.f32 v4, v6  }
0xe7: {  	v31 =	vld [tilespmem:s26+$0x5040];
	v30 =	vmul.f32 v8, v7  }
0xe8: {  	v3 =	vmul.f32 v5, v3;
	v4 =	vadd.f32 $9.999999710e-10, v4  }
0xe9: {  	v33 =	vadd.s32 $0x1000, v29;
	v32 =	vadd.f32 $9.999999710e-10, v30  }
0xea: {  	v34 =	vadd.s32 $0x2000, v29;
	v3 =	vadd.f32 $9.999999710e-10, v3;
	[tilespmem:s26+$0x7030] =	vst v4  }
0xeb: {  	[tilespmem:s26+$0x9030] =	vst v32  }
0xec: {  	v35 =	vadd.s32 $0x1000, v31;
	[tilespmem:s26+$0xB030] =	vst v3  }
0xed: {  	v5 =	vld.idx.msk [tilespmem:v29+s7+$0x0], $0xffff  }
0xee: {  	v36 =	vadd.s32 $0x2000, v31;
	v6 =	vld.idx.msk [tilespmem:v33+s7+$0x0], $0xffff  }
0xef: {  	v4 =	vld.idx.msk [tilespmem:v34+s7+$0x0], $0xffff  }
0xf0: {  	v7 =	vld.idx.msk [tilespmem:v31+s7+$0x0], $0xffff  }
0xf1: {  	v3 =	vld.idx.msk [tilespmem:v35+s7+$0x0], $0xffff;
	_ =	sdelay $0x1  }
0xf2: {  	v8 =	vld.idx.msk [tilespmem:v36+s7+$0x0], $0xffff  }
0xf3: {  	v37 =	vsub.f32 v5, v0;
	v38 =	vsub.f32 v6, v1  }
0xf4: {  	v39 =	vsub.f32 v4, v2;
	v40 =	vsub.f32 v7, v0  }
0xf5: {  	v41 =	vsub.f32 v3, v1;
	v5 =	vsub.f32 v5, v7;
	v9 =	vmul.f32 v37, v37  }
0xf6: {  	v3 =	vsub.f32 v6, v3;
	v10 =	vmul.f32 v38, v38;
	v43 =	vmul.f32 v39, v39  }
0xf7: {  	v42 =	vsub.f32 v8, v2;
	v45 =	vmul.f32 v40, v40;
	v46 =	vmul.f32 v41, v41  }
0xf8: {  	v4 =	vsub.f32 v4, v8;
	v5 =	vmul.f32 v5, v5;
	v3 =	vmul.f32 v3, v3  }
0xf9: {  	v48 =	vmul.f32 v42, v42;
	v44 =	vadd.f32 v10, v9;
	v47 =	vadd.f32 v46, v45  }
0xfa: {  	v4 =	vmul.f32 v4, v4;
	v3 =	vadd.f32 v3, v5  }
0xfb: {  	v6 =	vadd.f32 v43, v44;
	v7 =	vadd.f32 v48, v47  }
0xfc: {  	v3 =	vadd.f32 v4, v3  }
0xfd: {  	v49 =	vshra.s32 v6, $0x1;
	v50 =	vmul.f32 $5.000000000e-01, v6;
	v8 =	vshra.s32 v7, $0x1  }
0xfe: {  	v52 =	vmul.f32 $5.000000000e-01, v7;
	v53 =	vshra.s32 v3, $0x1;
	v5 =	vsub.s32 $0x5F3759DF, v49  }
0xff: {  	v54 =	vmul.f32 $5.000000000e-01, v3;
	v8 =	vsub.s32 $0x5F3759DF, v8;
	v51 =	vmul.f32 v5, v50  }
0x100: {  	v11 =	vsub.s32 $0x5F3759DF, v53;
	v55 =	vmul.f32 v8, v52  }
0x101: {  	v56 =	vmul.f32 v11, v54;
	v4 =	vmul.f32 v5, v51  }
0x102: {  	v13 =	vmul.f32 v8, v55  }
0x103: {  	v14 =	vmul.f32 v11, v56;
	v4 =	vsub.f32 $1.500000000e+00, v4  }
0x104: {  	v13 =	vsub.f32 $1.500000000e+00, v13  }
0x105: {  	v57 =	vsub.f32 $1.500000000e+00, v14;
	v4 =	vmul.f32 v5, v4  }
0x106: {  	v8 =	vmul.f32 v8, v13  }
0x107: {  	v5 =	vmul.f32 v11, v57;
	v58 =	vmul.f32 v4, v50  }
0x108: {  	v59 =	vmul.f32 v8, v52  }
0x109: {  	v60 =	vmul.f32 v5, v54;
	v13 =	vmul.f32 v58, v4  }
0x10a: {  	v11 =	vmul.f32 v59, v8  }
0x10b: {  	v14 =	vmul.f32 v60, v5;
	v13 =	vsub.f32 $1.500000000e+00, v13  }
0x10c: {  	v11 =	vsub.f32 $1.500000000e+00, v11  }
0x10d: {  	v61 =	vsub.f32 $1.500000000e+00, v14;
	v4 =	vmul.f32 v13, v4  }
0x10e: {  	v8 =	vmul.f32 v11, v8  }
0x10f: {  	v5 =	vmul.f32 v61, v5;
	v9 =	vmul.f32 v4, v50  }
0x110: {  	v10 =	vmul.f32 v8, v52  }
0x111: {  	v62 =	vmul.f32 v5, v54;
	v9 =	vmul.f32 v9, v4  }
0x112: {  	v10 =	vmul.f32 v10, v8  }
0x113: {  	v11 =	vmul.f32 v62, v5;
	v9 =	vsub.f32 $1.500000000e+00, v9  }
0x114: {  	v10 =	vsub.f32 $1.500000000e+00, v10  }
0x115: {  	v12 =	vld [tilespmem:s26+$0x3050];
	v63 =	vsub.f32 $1.500000000e+00, v11;
	v4 =	vmul.f32 v9, v4  }
0x116: {  	v8 =	vmul.f32 v10, v8  }
0x117: {  	v5 =	vmul.f32 v63, v5;
	v4 =	vmul.f32 v4, v6  }
0x118: {  	v14 =	vld [tilespmem:s26+$0x5050];
	v13 =	vmul.f32 v8, v7  }
0x119: {  	v3 =	vmul.f32 v5, v3;
	v4 =	vadd.f32 $9.999999710e-10, v4  }
0x11a: {  	v16 =	vadd.s32 $0x1000, v12;
	v15 =	vadd.f32 $9.999999710e-10, v13  }
0x11b: {  	v17 =	vadd.s32 $0x2000, v12;
	v3 =	vadd.f32 $9.999999710e-10, v3;
	[tilespmem:s26+$0x7040] =	vst v4  }
0x11c: {  	[tilespmem:s26+$0x9040] =	vst v15  }
0x11d: {  	v18 =	vadd.s32 $0x1000, v14;
	[tilespmem:s26+$0xB040] =	vst v3  }
0x11e: {  	v5 =	vld.idx.msk [tilespmem:v12+s7+$0x0], $0xffff  }
0x11f: {  	v19 =	vadd.s32 $0x2000, v14;
	v6 =	vld.idx.msk [tilespmem:v16+s7+$0x0], $0xffff  }
0x120: {  	v4 =	vld.idx.msk [tilespmem:v17+s7+$0x0], $0xffff  }
0x121: {  	v7 =	vld.idx.msk [tilespmem:v14+s7+$0x0], $0xffff  }
0x122: {  	v3 =	vld.idx.msk [tilespmem:v18+s7+$0x0], $0xffff;
	_ =	sdelay $0x1  }
0x123: {  	v8 =	vld.idx.msk [tilespmem:v19+s7+$0x0], $0xffff  }
0x124: {  	v20 =	vsub.f32 v5, v0;
	v21 =	vsub.f32 v6, v1  }
0x125: {  	v22 =	vsub.f32 v4, v2;
	v23 =	vsub.f32 v7, v0  }
0x126: {  	v24 =	vsub.f32 v3, v1;
	v5 =	vsub.f32 v5, v7;
	v9 =	vmul.f32 v20, v20  }
0x127: {  	v3 =	vsub.f32 v6, v3;
	v10 =	vmul.f32 v21, v21;
	v26 =	vmul.f32 v22, v22  }
0x128: {  	v25 =	vsub.f32 v8, v2;
	v28 =	vmul.f32 v23, v23;
	v29 =	vmul.f32 v24, v24  }
0x129: {  	v4 =	vsub.f32 v4, v8;
	v5 =	vmul.f32 v5, v5;
	v3 =	vmul.f32 v3, v3  }
0x12a: {  	v31 =	vmul.f32 v25, v25;
	v27 =	vadd.f32 v10, v9;
	v30 =	vadd.f32 v29, v28  }
0x12b: {  	v4 =	vmul.f32 v4, v4;
	v3 =	vadd.f32 v3, v5  }
0x12c: {  	v6 =	vadd.f32 v26, v27;
	v7 =	vadd.f32 v31, v30  }
0x12d: {  	v3 =	vadd.f32 v4, v3  }
0x12e: {  	v32 =	vshra.s32 v6, $0x1;
	v33 =	vmul.f32 $5.000000000e-01, v6;
	v8 =	vshra.s32 v7, $0x1  }
0x12f: {  	v35 =	vmul.f32 $5.000000000e-01, v7;
	v36 =	vshra.s32 v3, $0x1;
	v5 =	vsub.s32 $0x5F3759DF, v32  }
0x130: {  	v37 =	vmul.f32 $5.000000000e-01, v3;
	v8 =	vsub.s32 $0x5F3759DF, v8;
	v34 =	vmul.f32 v5, v33  }
0x131: {  	v11 =	vsub.s32 $0x5F3759DF, v36;
	v38 =	vmul.f32 v8, v35  }
0x132: {  	v39 =	vmul.f32 v11, v37;
	v4 =	vmul.f32 v5, v34  }
0x133: {  	v13 =	vmul.f32 v8, v38  }
0x134: {  	v14 =	vmul.f32 v11, v39;
	v4 =	vsub.f32 $1.500000000e+00, v4  }
0x135: {  	v13 =	vsub.f32 $1.500000000e+00, v13  }
0x136: {  	v40 =	vsub.f32 $1.500000000e+00, v14;
	v4 =	vmul.f32 v5, v4  }
0x137: {  	v8 =	vmul.f32 v8, v13  }
0x138: {  	v5 =	vmul.f32 v11, v40;
	v41 =	vmul.f32 v4, v33  }
0x139: {  	v42 =	vmul.f32 v8, v35  }
0x13a: {  	v43 =	vmul.f32 v5, v37;
	v13 =	vmul.f32 v41, v4  }
0x13b: {  	v11 =	vmul.f32 v42, v8  }
0x13c: {  	v14 =	vmul.f32 v43, v5;
	v13 =	vsub.f32 $1.500000000e+00, v13  }
0x13d: {  	v11 =	vsub.f32 $1.500000000e+00, v11  }
0x13e: {  	v44 =	vsub.f32 $1.500000000e+00, v14;
	v4 =	vmul.f32 v13, v4  }
0x13f: {  	v8 =	vmul.f32 v11, v8  }
0x140: {  	v5 =	vmul.f32 v44, v5;
	v9 =	vmul.f32 v4, v33  }
0x141: {  	v10 =	vmul.f32 v8, v35  }
0x142: {  	v45 =	vmul.f32 v5, v37;
	v9 =	vmul.f32 v9, v4  }
0x143: {  	v10 =	vmul.f32 v10, v8  }
0x144: {  	v11 =	vmul.f32 v45, v5;
	v9 =	vsub.f32 $1.500000000e+00, v9  }
0x145: {  	v10 =	vsub.f32 $1.500000000e+00, v10  }
0x146: {  	v47 =	vld [tilespmem:s26+$0x3060];
	v46 =	vsub.f32 $1.500000000e+00, v11;
	v4 =	vmul.f32 v9, v4  }
0x147: {  	v8 =	vmul.f32 v10, v8  }
0x148: {  	v5 =	vmul.f32 v46, v5;
	v4 =	vmul.f32 v4, v6  }
0x149: {  	v49 =	vld [tilespmem:s26+$0x5060];
	v48 =	vmul.f32 v8, v7  }
0x14a: {  	v3 =	vmul.f32 v5, v3;
	v4 =	vadd.f32 $9.999999710e-10, v4  }
0x14b: {  	v51 =	vadd.s32 $0x1000, v47;
	v50 =	vadd.f32 $9.999999710e-10, v48  }
0x14c: {  	v52 =	vadd.s32 $0x2000, v47;
	v3 =	vadd.f32 $9.999999710e-10, v3;
	[tilespmem:s26+$0x7050] =	vst v4  }
0x14d: {  	[tilespmem:s26+$0x9050] =	vst v50  }
0x14e: {  	v53 =	vadd.s32 $0x1000, v49;
	[tilespmem:s26+$0xB050] =	vst v3  }
0x14f: {  	v5 =	vld.idx.msk [tilespmem:v47+s7+$0x0], $0xffff  }
0x150: {  	v54 =	vadd.s32 $0x2000, v49;
	v6 =	vld.idx.msk [tilespmem:v51+s7+$0x0], $0xffff  }
0x151: {  	v4 =	vld.idx.msk [tilespmem:v52+s7+$0x0], $0xffff  }
0x152: {  	v7 =	vld.idx.msk [tilespmem:v49+s7+$0x0], $0xffff  }
0x153: {  	v3 =	vld.idx.msk [tilespmem:v53+s7+$0x0], $0xffff;
	_ =	sdelay $0x1  }
0x154: {  	v8 =	vld.idx.msk [tilespmem:v54+s7+$0x0], $0xffff  }
0x155: {  	v55 =	vsub.f32 v5, v0;
	v56 =	vsub.f32 v6, v1  }
0x156: {  	v57 =	vsub.f32 v4, v2;
	v58 =	vsub.f32 v7, v0  }
0x157: {  	v59 =	vsub.f32 v3, v1;
	v5 =	vsub.f32 v5, v7;
	v9 =	vmul.f32 v55, v55  }
0x158: {  	v3 =	vsub.f32 v6, v3;
	v10 =	vmul.f32 v56, v56;
	v61 =	vmul.f32 v57, v57  }
0x159: {  	v60 =	vsub.f32 v8, v2;
	v63 =	vmul.f32 v58, v58;
	v12 =	vmul.f32 v59, v59  }
0x15a: {  	v4 =	vsub.f32 v4, v8;
	v5 =	vmul.f32 v5, v5;
	v3 =	vmul.f32 v3, v3  }
0x15b: {  	v15 =	vmul.f32 v60, v60;
	v62 =	vadd.f32 v10, v9;
	v13 =	vadd.f32 v12, v63  }
0x15c: {  	v4 =	vmul.f32 v4, v4;
	v3 =	vadd.f32 v3, v5  }
0x15d: {  	v6 =	vadd.f32 v61, v62;
	v7 =	vadd.f32 v15, v13  }
0x15e: {  	v3 =	vadd.f32 v4, v3  }
0x15f: {  	v16 =	vshra.s32 v6, $0x1;
	v17 =	vmul.f32 $5.000000000e-01, v6;
	v8 =	vshra.s32 v7, $0x1  }
0x160: {  	v19 =	vmul.f32 $5.000000000e-01, v7;
	v20 =	vshra.s32 v3, $0x1;
	v5 =	vsub.s32 $0x5F3759DF, v16  }
0x161: {  	v21 =	vmul.f32 $5.000000000e-01, v3;
	v8 =	vsub.s32 $0x5F3759DF, v8;
	v18 =	vmul.f32 v5, v17  }
0x162: {  	v11 =	vsub.s32 $0x5F3759DF, v20;
	v22 =	vmul.f32 v8, v19  }
0x163: {  	v23 =	vmul.f32 v11, v21;
	v4 =	vmul.f32 v5, v18  }
0x164: {  	v13 =	vmul.f32 v8, v22  }
0x165: {  	v14 =	vmul.f32 v11, v23;
	v4 =	vsub.f32 $1.500000000e+00, v4  }
0x166: {  	v13 =	vsub.f32 $1.500000000e+00, v13  }
0x167: {  	v24 =	vsub.f32 $1.500000000e+00, v14;
	v4 =	vmul.f32 v5, v4  }
0x168: {  	v8 =	vmul.f32 v8, v13  }
0x169: {  	v5 =	vmul.f32 v11, v24;
	v25 =	vmul.f32 v4, v17  }
0x16a: {  	v26 =	vmul.f32 v8, v19  }
0x16b: {  	v27 =	vmul.f32 v5, v21;
	v13 =	vmul.f32 v25, v4  }
0x16c: {  	v11 =	vmul.f32 v26, v8  }
0x16d: {  	v14 =	vmul.f32 v27, v5;
	v13 =	vsub.f32 $1.500000000e+00, v13  }
0x16e: {  	v11 =	vsub.f32 $1.500000000e+00, v11  }
0x16f: {  	v28 =	vsub.f32 $1.500000000e+00, v14;
	v4 =	vmul.f32 v13, v4  }
0x170: {  	v8 =	vmul.f32 v11, v8  }
0x171: {  	v5 =	vmul.f32 v28, v5;
	v9 =	vmul.f32 v4, v17  }
0x172: {  	v10 =	vmul.f32 v8, v19  }
0x173: {  	v29 =	vmul.f32 v5, v21;
	v9 =	vmul.f32 v9, v4  }
0x174: {  	v10 =	vmul.f32 v10, v8  }
0x175: {  	v11 =	vmul.f32 v29, v5;
	v9 =	vsub.f32 $1.500000000e+00, v9  }
0x176: {  	v10 =	vsub.f32 $1.500000000e+00, v10  }
0x177: {  	v31 =	vld [tilespmem:s26+$0x3070];
	v30 =	vsub.f32 $1.500000000e+00, v11;
	v4 =	vmul.f32 v9, v4  }
0x178: {  	v8 =	vmul.f32 v10, v8  }
0x179: {  	v5 =	vmul.f32 v30, v5;
	v4 =	vmul.f32 v4, v6  }
0x17a: {  	v33 =	vld [tilespmem:s26+$0x5070];
	v32 =	vmul.f32 v8, v7  }
0x17b: {  	v3 =	vmul.f32 v5, v3;
	v4 =	vadd.f32 $9.999999710e-10, v4  }
0x17c: {  	v35 =	vadd.s32 $0x1000, v31;
	v34 =	vadd.f32 $9.999999710e-10, v32  }
0x17d: {  	v36 =	vadd.s32 $0x2000, v31;
	v3 =	vadd.f32 $9.999999710e-10, v3;
	[tilespmem:s26+$0x7060] =	vst v4  }
0x17e: {  	[tilespmem:s26+$0x9060] =	vst v34  }
0x17f: {  	v37 =	vadd.s32 $0x1000, v33;
	[tilespmem:s26+$0xB060] =	vst v3  }
0x180: {  	v5 =	vld.idx.msk [tilespmem:v31+s7+$0x0], $0xffff  }
0x181: {  	v38 =	vadd.s32 $0x2000, v33;
	v6 =	vld.idx.msk [tilespmem:v35+s7+$0x0], $0xffff  }
0x182: {  	v4 =	vld.idx.msk [tilespmem:v36+s7+$0x0], $0xffff  }
0x183: {  	v7 =	vld.idx.msk [tilespmem:v33+s7+$0x0], $0xffff  }
0x184: {  	v3 =	vld.idx.msk [tilespmem:v37+s7+$0x0], $0xffff;
	_ =	sdelay $0x1  }
0x185: {  	v8 =	vld.idx.msk [tilespmem:v38+s7+$0x0], $0xffff  }
0x186: {  	v39 =	vsub.f32 v5, v0;
	v40 =	vsub.f32 v6, v1  }
0x187: {  	v41 =	vsub.f32 v4, v2;
	v0 =	vsub.f32 v7, v0  }
0x188: {  	v1 =	vsub.f32 v3, v1;
	v5 =	vsub.f32 v5, v7;
	v9 =	vmul.f32 v39, v39  }
0x189: {  	v3 =	vsub.f32 v6, v3;
	v10 =	vmul.f32 v40, v40;
	v42 =	vmul.f32 v41, v41  }
0x18a: {  	v2 =	vsub.f32 v8, v2;
	v0 =	vmul.f32 v0, v0;
	v1 =	vmul.f32 v1, v1  }
0x18b: {  	v4 =	vsub.f32 v4, v8;
	v5 =	vmul.f32 v5, v5;
	v3 =	vmul.f32 v3, v3  }
0x18c: {  	v44 =	vmul.f32 v2, v2;
	v43 =	vadd.f32 v10, v9;
	v0 =	vadd.f32 v1, v0  }
0x18d: {  	v46 =	vmul.f32 v4, v4;
	v45 =	vadd.f32 v3, v5  }
0x18e: {  	v6 =	vadd.f32 v42, v43;
	v0 =	vadd.f32 v44, v0  }
0x18f: {  	v2 =	vadd.f32 v46, v45  }
0x190: {  	v47 =	vshra.s32 v6, $0x1;
	v48 =	vmul.f32 $5.000000000e-01, v6;
	v51 =	vshra.s32 v0, $0x1  }
0x191: {  	v52 =	vmul.f32 $5.000000000e-01, v0;
	v53 =	vshra.s32 v2, $0x1;
	v49 =	vsub.s32 $0x5F3759DF, v47  }
0x192: {  	v54 =	vmul.f32 $5.000000000e-01, v2;
	v4 =	vsub.s32 $0x5F3759DF, v51;
	v50 =	vmul.f32 v49, v48  }
0x193: {  	v8 =	vsub.s32 $0x5F3759DF, v53;
	v55 =	vmul.f32 v4, v52  }
0x194: {  	v56 =	vmul.f32 v8, v54;
	v3 =	vmul.f32 v49, v50  }
0x195: {  	v10 =	vmul.f32 v4, v55  }
0x196: {  	v11 =	vmul.f32 v8, v56;
	v3 =	vsub.f32 $1.500000000e+00, v3  }
0x197: {  	v10 =	vsub.f32 $1.500000000e+00, v10  }
0x198: {  	v57 =	vsub.f32 $1.500000000e+00, v11;
	v1 =	vmul.f32 v49, v3  }
0x199: {  	v4 =	vmul.f32 v4, v10  }
0x19a: {  	v3 =	vmul.f32 v8, v57;
	v58 =	vmul.f32 v1, v48  }
0x19b: {  	v59 =	vmul.f32 v4, v52  }
0x19c: {  	v60 =	vmul.f32 v3, v54;
	v10 =	vmul.f32 v58, v1  }
0x19d: {  	v8 =	vmul.f32 v59, v4  }
0x19e: {  	v11 =	vmul.f32 v60, v3;
	v10 =	vsub.f32 $1.500000000e+00, v10  }
0x19f: {  	v8 =	vsub.f32 $1.500000000e+00, v8  }
0x1a0: {  	v61 =	vsub.f32 $1.500000000e+00, v11;
	v1 =	vmul.f32 v10, v1  }
0x1a1: {  	v4 =	vmul.f32 v8, v4  }
0x1a2: {  	v3 =	vmul.f32 v61, v3;
	v5 =	vmul.f32 v1, v48  }
0x1a3: {  	v7 =	vmul.f32 v4, v52  }
0x1a4: {  	v62 =	vmul.f32 v3, v54;
	v5 =	vmul.f32 v5, v1  }
0x1a5: {  	v7 =	vmul.f32 v7, v4  }
0x1a6: {  	v8 =	vmul.f32 v62, v3;
	v5 =	vsub.f32 $1.500000000e+00, v5  }
0x1a7: {  	v7 =	vsub.f32 $1.500000000e+00, v7  }
0x1a8: {  	v63 =	vsub.f32 $1.500000000e+00, v8;
	v1 =	vmul.f32 v5, v1  }
0x1a9: {  	v4 =	vmul.f32 v7, v4  }
0x1aa: {  	v3 =	vmul.f32 v63, v3;
	v1 =	vmul.f32 v1, v6  }
0x1ab: {  	p0 =	sne.s32 s24, $0x7E00;
	v0 =	vmul.f32 v4, v0  }
.Ltmp0:
0x1ac: {  	v2 =	vmul.f32 v3, v2;
	v1 =	vadd.f32 $9.999999710e-10, v1;
	(pc) =	sbr.rel @p0 .LBB2_3-.Ltmp0, $4  }
0x1ad: {  	v0 =	vadd.f32 $9.999999710e-10, v0  }
0x1ae: {  	v2 =	vadd.f32 $9.999999710e-10, v2;
	[tilespmem:s26+$0x7070] =	vst v1  }
0x1af: {  	[tilespmem:s26+$0x9070] =	vst v0  }
0x1b0: {  	s25 =	sadd.s32 $0x1, s25;
	s24 =	sadd.s32 $0x200, s24;
	[tilespmem:s26+$0xB070] =	vst v2  }
0x1b1: {  	s24 =	sadd.s32 s3, s23  }
0x1b2: {  	[hbm4b:s24+s7] =	stream.linear.scatter [tilespmem:s17], [sflag:$0x1], $0x2000, $0x38;
	[tilespmem:$0xD000] =	vst v63  }
0x1b3: {  	_ =	swait.ge [sflag:s8], $0x2000  }
0x1b4: {  	[sflag:s8] =	ssyncset.done $0x0  }
0x1b5: {  	s30 =	sadd.s32 s5, s23;
	[sflag:s8] =	ssyncadd.s32 $0xFFFFE000  }
0x1b6: {  	[hbm4b:s30+s7] =	stream.linear.scatter [tilespmem:s18], [sflag:$0x1], $0x2000, $0x38;
	[tilespmem:$0xD000] =	vst v63  }
0x1b7: {  	s22 =	sadd.s32 $0x1, s22;
	_ =	swait.ge [sflag:s8], $0x2000  }
0x1b8: {  	p0 =	sne.s32 s22, $0x20;
	[sflag:s8] =	ssyncset.done $0x0  }
.Ltmp1:
0x1b9: {  	s31 =	sadd.s32 s6, s23;
	[sflag:s8] =	ssyncadd.s32 $0xFFFFE000;
	(pc) =	sbr.rel @p0 .LBB2_2-.Ltmp1, $4  }
0x1ba: {  	[hbm4b:s31+s7] =	stream.linear.scatter [tilespmem:s19], [sflag:$0x1], $0x2000, $0x38;
	[tilespmem:$0xD000] =	vst v63  }
0x1bb: {  	_ =	swait.ge [sflag:s8], $0x2000  }
0x1bc: {  	[sflag:s8] =	ssyncset.done $0x0  }
0x1bd: {  	s21 =	sadd.s32 $0x40, s21;
	[sflag:s8] =	ssyncadd.s32 $0xFFFFE000  }
0x1be: {  	s20 =	sadd.s32 $0x1, s20  }
0x1bf: {  	p0 =	sne.s32 s20, s12  }
.Ltmp2:
0x1c0: {  	_ = 	snop;
	(pc) =	sbr.rel @p0 .LBB2_1-.Ltmp2, $1  }
0x1c1: {  	_ =	sdelay $0x3  }
0x1c2: {  	_ =	sfence.sel $0x180000  }
0x1c3: {  	[bflag:$0x0] =	sbarrier.arrive $0xFFFF  }
0x1c4: {  	p0 =	sne.s32 s0, $0x0;
	_ =	strace $0x90000047  }
0x1c5: {  	s0 =	sadd.s32 @!p0 $0x100000, s4;
	[bflag:$0x2] =	sbarrier.arrive $0xFFFF  }
0x1c6: {  	[sflag:s0] =	ssyncadd.tile.s32 @!p0 $0x1;
	_ =	shalt  }
.Lfunc_end2:
_tile_overlayer_lowered:
.L_overlay_start_2:
0x1c7: {  	(tag) =	ssettag $0x2  }
0x1c8: {  	s0 =	rddreg [dreg:$0x0];
	s2 =	stileid.u32  }
0x1c9: {  	s1 =	rddreg [dreg:$0x1];
	p0 =	sne.s32 s2, $0x0  }
0x1ca: {  	s3 =	rddreg [dreg:$0x2];
	[bflag:$0x3] =	sbarrier.arrive $0xFFFF;
	s2 =	simm.s32 @!p0 $0x1C01  }
0x1cb: {  	[timem:s3], [sflag:s2] =	dma.local @!p0 [hbm:s0], s1  }
0x1cc: {  	s0 =	simm.s32 @!p0 $0x1  }
0x1cd: {  	_ =	swait.ge @!p0 [sflag:s0], s1  }
0x1ce: {  	s1 =	ssub.s32 @!p0 $0x0, s1;
	[sflag:s0] =	ssyncset.done @!p0 $0x0  }
0x1cf: {  	[sflag:s0] =	ssyncadd.s32 @!p0 s1  }
0x1d0: {  	[bflag:$0x3] =	sbarrier.arrive $0xFFFF  }
0x1d1: {  	_ =	shalt  }

</sc_bundles>
